<compile_context>
chip_gen: v7x
topology: tpu7x:2x2x1
jax: 0.10.2.dev20260603
libtpu: 0.0.44.dev20260713+nightly
codegen_flags: <defaults>
</compile_context>

<pallas_src>
import functools

import jax
import jax.numpy as jnp
from jax import lax
from jax.experimental import pallas as pl
from jax.experimental.pallas import tpu as pltpu
from jax.experimental.pallas import tpu_sc as plsc

_INV_TEMP = 1.0 / 0.6
_LOG2E = 1.4426950408889634
_LN2 = 0.6931471805599453
_BLK = 98304
_CHUNK = 4096
_SC_ROWS = 8
_SC_CH = 65536


def _fused_kernel(x_ref, o_ref, stash, acc_wide, acc, *, ncols, blk, nc):
    p = pl.program_id(1)
    j = pl.program_id(2)
    k = jnp.float32(_INV_TEMP * _LOG2E)
    ch = _CHUNK
    nch = blk // ch
    tail = ncols - (nc - 1) * blk

    def _accum_full():
        aw = acc_wide[...]
        for c in range(nch):
            cs = slice(c * ch, (c + 1) * ch)
            xc = x_ref[:, cs]
            aw = aw + jnp.exp2(xc * k)
            stash[j, :, cs] = xc.astype(jnp.bfloat16)
        acc_wide[...] = aw

    def _accum_tail():
        aw = acc_wide[...]
        nfull = tail // ch
        for c in range(nfull):
            cs = slice(c * ch, (c + 1) * ch)
            xc = x_ref[:, cs]
            aw = aw + jnp.exp2(xc * k)
            stash[j, :, cs] = xc.astype(jnp.bfloat16)
        if tail % ch:
            c = nfull
            cs = slice(c * ch, (c + 1) * ch)
            xc = x_ref[:, cs]
            e = jnp.exp2(xc * k)
            col = jax.lax.broadcasted_iota(jnp.int32, e.shape, 1) + c * ch
            e = jnp.where(col < tail, e, 0.0)
            aw = aw + e
            stash[j, :, cs] = xc.astype(jnp.bfloat16)
        acc_wide[...] = aw
        acc[...] = jnp.sum(aw, axis=1, keepdims=True)

    @pl.when(p == 0)
    def _sum_phase():
        @pl.when(j == 0)
        def _zero():
            acc_wide[...] = jnp.zeros_like(acc_wide)

        if nc == 1:
            _accum_tail()
        else:

            @pl.when(j < nc - 1)
            def _mid():
                _accum_full()

            @pl.when(j == nc - 1)
            def _last():
                _accum_tail()

    @pl.when(p == 1)
    def _norm_phase():
        lse = jnp.log2(acc[...]) * jnp.float32(_LN2)
        for c in range(nch):
            cs = slice(c * ch, (c + 1) * ch)
            o_ref[:, cs] = (
                stash[j, :, cs].astype(jnp.float32) * jnp.float32(_INV_TEMP) - lse
            )


def _tc_part(logits, tc_rows):
    n, v = logits.shape
    blk = _BLK
    nc = pl.cdiv(v, blk)
    rpg = 8
    ng = tc_rows // rpg
    return pl.pallas_call(
        functools.partial(_fused_kernel, ncols=v, blk=blk, nc=nc),
        grid=(ng, 2, nc),
        in_specs=[
            pl.BlockSpec(
                (rpg, blk),
                lambda g, p, j: (g, jnp.where(p == 0, j, nc - 1)),
            )
        ],
        out_specs=pl.BlockSpec(
            (rpg, blk),
            lambda g, p, j: (g, jnp.where(p == 0, 0, j)),
        ),
        out_shape=jax.ShapeDtypeStruct((n, v), jnp.float32),
        scratch_shapes=[
            pltpu.VMEM((nc, rpg, blk), jnp.bfloat16),
            pltpu.VMEM((rpg, _CHUNK), jnp.float32),
            pltpu.VMEM((rpg, 1), jnp.float32),
        ],
        compiler_params=pltpu.CompilerParams(
            vmem_limit_bytes=100 * 1024 * 1024,
            dimension_semantics=("parallel", "arbitrary", "arbitrary"),
        ),
    )(logits)


def _sc_part(logits, first_row, m):
    n, v = logits.shape
    info = plsc.get_sparse_core_info()
    nc_cores, ns = info.num_cores, info.num_subcores
    nw = nc_cores * ns
    wpr = nw // m
    ch = _SC_CH
    nfull = v // ch
    tail_al = (v - nfull * ch) // 128 * 128
    mesh = plsc.VectorSubcoreMesh(core_axis_name="c", subcore_axis_name="s")

    @functools.partial(
        pl.kernel,
        mesh=mesh,
        out_type=jax.ShapeDtypeStruct((m, v), jnp.float32),
        scratch_types=[pltpu.VMEM((ch,), jnp.float32)],
    )
    def sc_copy(x_hbm, o_hbm, buf):
        wid = lax.axis_index("s") * nc_cores + lax.axis_index("c")
        r = wid // wpr
        q = wid % wpr
        cpw = (nfull + 1 + wpr - 1) // wpr

        def body(i, _):
            ci = q * cpw + i

            @pl.when(ci < nfull)
            def _full():
                base = ci * ch
                pltpu.sync_copy(x_hbm.at[first_row + r, pl.ds(base, ch)], buf)
                pltpu.sync_copy(buf, o_hbm.at[r, pl.ds(base, ch)])

            @pl.when(ci == nfull)
            def _tail():
                base = nfull * ch
                tb = buf.at[pl.ds(0, tail_al)]
                pltpu.sync_copy(x_hbm.at[first_row + r, pl.ds(base, tail_al)], tb)
                pltpu.sync_copy(tb, o_hbm.at[r, pl.ds(base, tail_al)])

            return 0

        lax.fori_loop(0, cpw, body, 0)

    return sc_copy(logits)


def kernel(logits):
    n, v = logits.shape
    m = _SC_ROWS
    tc_rows = n - m
    sc_out = _sc_part(logits, tc_rows, m)
    tc_out = _tc_part(logits, tc_rows)
    return lax.dynamic_update_slice(tc_out, sc_out, (tc_rows, 0))

# --- scband reference (transcript-rebuilt; emitter-appended) ---
"""Pipeline reference for scband-softmax-categorical-head-70265664963187 (READ-ONLY COPY).

The authoritative reference and input builder live on the scoring server;
editing this copy changes nothing except your own understanding.
"""

import jax, jax.numpy as jnp
import numpy as np

TEMPERATURE = 0.6


def setup_inputs(seed: int = 0) -> dict:
    key = jax.random.key(seed)
    logits = jax.random.normal(key, (32, 1000000), dtype=jnp.float32)
    return {"logits": logits}


def reference(logits):
    # repetition_penalty == 1.0 -> the env-based penalty branch is a no-op.
    # logits = logits / temperature, then Categorical(logits=...) normalizes
    # the logits to log-probabilities: logits - logsumexp(logits, -1).
    scaled = logits / TEMPERATURE
    log_probs = scaled - jax.scipy.special.logsumexp(scaled, axis=-1, keepdims=True)
    return log_probs

if __name__ == "__main__":
    import jax
    _d = setup_inputs()
    print(jax.jit(kernel)(*tuple(_d.values())))

</pallas_src>

<mosaic_0001>
#map = affine_map<(d0, d1) -> (0, 0)>
module attributes {stable_mosaic.version = 14 : i64} {
  func.func @sc_copy(%arg0: i32, %arg1: i32, %arg2: memref<32x1000000xf32, #tpu.memory_space<hbm>>, %arg3: memref<8x1000000xf32, #tpu.memory_space<hbm>>, %arg4: memref<65536xf32, #tpu.memory_space<vmem>>) attributes {dimension_semantics = [#tpu.dimension_semantics<core_parallel>, #tpu.dimension_semantics<subcore_parallel>], iteration_bounds = array<i64: 2, 16>, scalar_prefetch = 0 : i64, scratch_operands = 1 : i64, tpu.core_type = #tpu.core_type<sc_vector_subcore>, window_params = [{transform_indices = #map}, {transform_indices = #map}]} {
    %mul3A = arith.constant 2 : i32
    %mul3A_0 = arith.muli %arg1, %mul3A : i32
    %add3A = arith.addi %mul3A_0, %arg0 : i32
    %jit3A = arith.constant 4 : i32
    %div3A = arith.divsi %add3A, %jit3A : i32
    %sign3A = arith.constant 0 : i32
    %sign3A_1 = arith.cmpi sgt, %add3A, %sign3A : i32
    %sign3A_2 = arith.extui %sign3A_1 : i1 to i32
    %sign3A_3 = arith.constant 0 : i32
    %sign3A_4 = arith.cmpi slt, %add3A, %sign3A_3 : i32
    %sign3A_5 = arith.extui %sign3A_4 : i1 to i32
    %sign3A_6 = arith.subi %sign3A_2, %sign3A_5 : i32
    %sign3A_7 = arith.constant 0 : i32
    %sign3A_8 = arith.cmpi sgt, %jit3A, %sign3A_7 : i32
    %sign3A_9 = arith.extui %sign3A_8 : i1 to i32
    %sign3A_10 = arith.constant 0 : i32
    %sign3A_11 = arith.cmpi slt, %jit3A, %sign3A_10 : i32
    %sign3A_12 = arith.extui %sign3A_11 : i1 to i32
    %sign3A_13 = arith.subi %sign3A_9, %sign3A_12 : i32
    %ne3A = arith.cmpi ne, %sign3A_6, %sign3A_13 : i32
    %rem3A = arith.remsi %add3A, %jit3A : i32
    %ne3A_14 = arith.constant 0 : i32
    %ne3A_15 = arith.cmpi ne, %rem3A, %ne3A_14 : i32
    %and3A = arith.andi %ne3A, %ne3A_15 : i1
    %sub3A = arith.constant 1 : i32
    %sub3A_16 = arith.subi %div3A, %sub3A : i32
    %select_n3A = arith.select %and3A, %sub3A_16, %div3A : i32
    %jit3A_17 = arith.constant 4 : i32
    %eq3A = arith.constant 0 : i32
    %eq3A_18 = arith.cmpi eq, %jit3A_17, %eq3A : i32
    %jit3A_19 = arith.constant 1 : i32
    %select_n3A_20 = arith.select %eq3A_18, %jit3A_19, %jit3A_17 : i32
    %rem3A_21 = arith.remsi %add3A, %select_n3A_20 : i32
    %ne3A_22 = arith.constant 0 : i32
    %ne3A_23 = arith.cmpi ne, %rem3A_21, %ne3A_22 : i32
    %lt3A = arith.constant 0 : i32
    %lt3A_24 = arith.cmpi slt, %rem3A_21, %lt3A : i32
    %lt3A_25 = arith.constant 0 : i32
    %lt3A_26 = arith.cmpi slt, %select_n3A_20, %lt3A_25 : i32
    %ne3A_27 = arith.xori %lt3A_24, %lt3A_26 : i1
    %and3A_28 = arith.andi %ne3A_27, %ne3A_23 : i1
    %add3A_29 = arith.addi %rem3A_21, %select_n3A_20 : i32
    %select_n3A_30 = arith.select %and3A_28, %add3A_29, %rem3A_21 : i32
    %scan3A = arith.constant 0 : i32
    %scan3A_31 = arith.constant 0 : i32
    %scan3A_32 = arith.constant 4 : i32
    %scan3A_33 = arith.addi %scan3A_31, %scan3A_32 : i32
    %scan3A_34 = arith.constant 1 : i32
    %scan3A_35 = scf.for %scan3A_37 = %scan3A_31 to %scan3A_33 step %scan3A_34 iter_args(%scan3A_38 = %scan3A) -> (i32)  : i32 {
      %mul3A_39 = arith.constant 4 : i32
      %mul3A_40 = arith.muli %select_n3A_30, %mul3A_39 : i32
      %add3A_41 = arith.addi %mul3A_40, %scan3A_37 : i32
      %lt3A_42 = arith.constant 15 : i32
      %lt3A_43 = arith.cmpi slt, %add3A_41, %lt3A_42 : i32
      %convert_element_type3A = arith.extui %lt3A_43 : i1 to i32
      %cond3A = arith.constant 0 : i32
      %cond3A_44 = arith.cmpi ne, %convert_element_type3A, %cond3A : i32
      scf.if %cond3A_44 {
        %mul3A_51 = arith.constant 65536 : i32
        %mul3A_52 = arith.muli %add3A_41, %mul3A_51 : i32
        %add3A_53 = arith.constant 24 : i32
        %add3A_54 = arith.addi %add3A_53, %select_n3A : i32
        "tpu.region"() ({
          %run_scoped3A = tpu.sem_alloc : memref<!tpu.dma_semaphore, #tpu.memory_space<semaphore_mem>>
          %dma_start3A = tpu.memref_slice %arg2[%add3A_54, %mul3A_52] : memref<32x1000000xf32, #tpu.memory_space<hbm>> -> memref<1x65536xf32, #tpu.memory_space<hbm>>
          %dma_start3A_55 = tpu.memref_squeeze %dma_start3A : memref<1x65536xf32, #tpu.memory_space<hbm>> -> memref<65536xf32, #tpu.memory_space<hbm>>
          %dma_start3A_56 = tpu.memref_slice %arg2[%add3A_54, %mul3A_52] : memref<32x1000000xf32, #tpu.memory_space<hbm>> -> memref<1x65536xf32, #tpu.memory_space<hbm>>
          %dma_start3A_57 = tpu.memref_squeeze %dma_start3A_56 : memref<1x65536xf32, #tpu.memory_space<hbm>> -> memref<65536xf32, #tpu.memory_space<hbm>>
          tpu.enqueue_dma source(%dma_start3A_57 : memref<65536xf32, #tpu.memory_space<hbm>>) target(%arg4 : memref<65536xf32, #tpu.memory_space<vmem>>) target_semaphore(%run_scoped3A : memref<!tpu.dma_semaphore, #tpu.memory_space<semaphore_mem>>)
          %dma_wait3A = tpu.memref_slice %arg2[%add3A_54, %mul3A_52] : memref<32x1000000xf32, #tpu.memory_space<hbm>> -> memref<1x65536xf32, #tpu.memory_space<hbm>>
          %dma_wait3A_58 = tpu.memref_squeeze %dma_wait3A : memref<1x65536xf32, #tpu.memory_space<hbm>> -> memref<65536xf32, #tpu.memory_space<hbm>>
          %dma_wait3A_59 = tpu.memref_slice %arg2[%add3A_54, %mul3A_52] : memref<32x1000000xf32, #tpu.memory_space<hbm>> -> memref<1x65536xf32, #tpu.memory_space<hbm>>
          %dma_wait3A_60 = tpu.memref_squeeze %dma_wait3A_59 : memref<1x65536xf32, #tpu.memory_space<hbm>> -> memref<65536xf32, #tpu.memory_space<hbm>>
          tpu.wait_dma2 semaphore(%run_scoped3A : memref<!tpu.dma_semaphore, #tpu.memory_space<semaphore_mem>>) src(%dma_wait3A_60 : memref<65536xf32, #tpu.memory_space<hbm>>) dst(%arg4 : memref<65536xf32, #tpu.memory_space<vmem>>)
          tpu.yield
        }) : () -> ()
        "tpu.region"() ({
          %run_scoped3A = tpu.sem_alloc : memref<!tpu.dma_semaphore, #tpu.memory_space<semaphore_mem>>
          %dma_start3A = tpu.memref_slice %arg3[%select_n3A, %mul3A_52] : memref<8x1000000xf32, #tpu.memory_space<hbm>> -> memref<1x65536xf32, #tpu.memory_space<hbm>>
          %dma_start3A_55 = tpu.memref_squeeze %dma_start3A : memref<1x65536xf32, #tpu.memory_space<hbm>> -> memref<65536xf32, #tpu.memory_space<hbm>>
          %dma_start3A_56 = tpu.memref_slice %arg3[%select_n3A, %mul3A_52] : memref<8x1000000xf32, #tpu.memory_space<hbm>> -> memref<1x65536xf32, #tpu.memory_space<hbm>>
          %dma_start3A_57 = tpu.memref_squeeze %dma_start3A_56 : memref<1x65536xf32, #tpu.memory_space<hbm>> -> memref<65536xf32, #tpu.memory_space<hbm>>
          tpu.enqueue_dma source(%arg4 : memref<65536xf32, #tpu.memory_space<vmem>>) target(%dma_start3A_57 : memref<65536xf32, #tpu.memory_space<hbm>>) target_semaphore(%run_scoped3A : memref<!tpu.dma_semaphore, #tpu.memory_space<semaphore_mem>>)
          %dma_wait3A = tpu.memref_slice %arg3[%select_n3A, %mul3A_52] : memref<8x1000000xf32, #tpu.memory_space<hbm>> -> memref<1x65536xf32, #tpu.memory_space<hbm>>
          %dma_wait3A_58 = tpu.memref_squeeze %dma_wait3A : memref<1x65536xf32, #tpu.memory_space<hbm>> -> memref<65536xf32, #tpu.memory_space<hbm>>
          %dma_wait3A_59 = tpu.memref_slice %arg3[%select_n3A, %mul3A_52] : memref<8x1000000xf32, #tpu.memory_space<hbm>> -> memref<1x65536xf32, #tpu.memory_space<hbm>>
          %dma_wait3A_60 = tpu.memref_squeeze %dma_wait3A_59 : memref<1x65536xf32, #tpu.memory_space<hbm>> -> memref<65536xf32, #tpu.memory_space<hbm>>
          tpu.wait_dma2 semaphore(%run_scoped3A : memref<!tpu.dma_semaphore, #tpu.memory_space<semaphore_mem>>) src(%arg4 : memref<65536xf32, #tpu.memory_space<vmem>>) dst(%dma_wait3A_60 : memref<65536xf32, #tpu.memory_space<hbm>>)
          tpu.yield
        }) : () -> ()
      } else {
      }
      %eq3A_45 = arith.constant 15 : i32
      %eq3A_46 = arith.cmpi eq, %add3A_41, %eq3A_45 : i32
      %convert_element_type3A_47 = arith.extui %eq3A_46 : i1 to i32
      %cond3A_48 = arith.constant 0 : i32
      %cond3A_49 = arith.cmpi ne, %convert_element_type3A_47, %cond3A_48 : i32
      scf.if %cond3A_49 {
        %add3A_51 = arith.constant 24 : i32
        %add3A_52 = arith.addi %add3A_51, %select_n3A : i32
        "tpu.region"() ({
          %run_scoped3A = tpu.sem_alloc : memref<!tpu.dma_semaphore, #tpu.memory_space<semaphore_mem>>
          %dma_start3A = arith.constant 0 : i32
          %dma_start3A_53 = tpu.memref_slice %arg4[%dma_start3A] : memref<65536xf32, #tpu.memory_space<vmem>> -> memref<16896xf32, #tpu.memory_space<vmem>>
          %dma_start3A_54 = arith.constant 983040 : i32
          %dma_start3A_55 = tpu.memref_slice %arg2[%add3A_52, %dma_start3A_54] : memref<32x1000000xf32, #tpu.memory_space<hbm>> -> memref<1x16896xf32, #tpu.memory_space<hbm>>
          %dma_start3A_56 = tpu.memref_squeeze %dma_start3A_55 : memref<1x16896xf32, #tpu.memory_space<hbm>> -> memref<16896xf32, #tpu.memory_space<hbm>>
          %dma_start3A_57 = arith.constant 0 : i32
          %dma_start3A_58 = tpu.memref_slice %arg4[%dma_start3A_57] : memref<65536xf32, #tpu.memory_space<vmem>> -> memref<16896xf32, #tpu.memory_space<vmem>>
          %dma_start3A_59 = arith.constant 983040 : i32
          %dma_start3A_60 = tpu.memref_slice %arg2[%add3A_52, %dma_start3A_59] : memref<32x1000000xf32, #tpu.memory_space<hbm>> -> memref<1x16896xf32, #tpu.memory_space<hbm>>
          %dma_start3A_61 = tpu.memref_squeeze %dma_start3A_60 : memref<1x16896xf32, #tpu.memory_space<hbm>> -> memref<16896xf32, #tpu.memory_space<hbm>>
          tpu.enqueue_dma source(%dma_start3A_61 : memref<16896xf32, #tpu.memory_space<hbm>>) target(%dma_start3A_58 : memref<16896xf32, #tpu.memory_space<vmem>>) target_semaphore(%run_scoped3A : memref<!tpu.dma_semaphore, #tpu.memory_space<semaphore_mem>>)
          %dma_wait3A = arith.constant 0 : i32
          %dma_wait3A_62 = tpu.memref_slice %arg4[%dma_wait3A] : memref<65536xf32, #tpu.memory_space<vmem>> -> memref<16896xf32, #tpu.memory_space<vmem>>
          %dma_wait3A_63 = arith.constant 983040 : i32
          %dma_wait3A_64 = tpu.memref_slice %arg2[%add3A_52, %dma_wait3A_63] : memref<32x1000000xf32, #tpu.memory_space<hbm>> -> memref<1x16896xf32, #tpu.memory_space<hbm>>
          %dma_wait3A_65 = tpu.memref_squeeze %dma_wait3A_64 : memref<1x16896xf32, #tpu.memory_space<hbm>> -> memref<16896xf32, #tpu.memory_space<hbm>>
          %dma_wait3A_66 = arith.constant 0 : i32
          %dma_wait3A_67 = tpu.memref_slice %arg4[%dma_wait3A_66] : memref<65536xf32, #tpu.memory_space<vmem>> -> memref<16896xf32, #tpu.memory_space<vmem>>
          %dma_wait3A_68 = arith.constant 983040 : i32
          %dma_wait3A_69 = tpu.memref_slice %arg2[%add3A_52, %dma_wait3A_68] : memref<32x1000000xf32, #tpu.memory_space<hbm>> -> memref<1x16896xf32, #tpu.memory_space<hbm>>
          %dma_wait3A_70 = tpu.memref_squeeze %dma_wait3A_69 : memref<1x16896xf32, #tpu.memory_space<hbm>> -> memref<16896xf32, #tpu.memory_space<hbm>>
          tpu.wait_dma2 semaphore(%run_scoped3A : memref<!tpu.dma_semaphore, #tpu.memory_space<semaphore_mem>>) src(%dma_wait3A_70 : memref<16896xf32, #tpu.memory_space<hbm>>) dst(%dma_wait3A_67 : memref<16896xf32, #tpu.memory_space<vmem>>)
          tpu.yield
        }) : () -> ()
        "tpu.region"() ({
          %run_scoped3A = tpu.sem_alloc : memref<!tpu.dma_semaphore, #tpu.memory_space<semaphore_mem>>
          %dma_start3A = arith.constant 0 : i32
          %dma_start3A_53 = tpu.memref_slice %arg4[%dma_start3A] : memref<65536xf32, #tpu.memory_space<vmem>> -> memref<16896xf32, #tpu.memory_space<vmem>>
          %dma_start3A_54 = arith.constant 983040 : i32
          %dma_start3A_55 = tpu.memref_slice %arg3[%select_n3A, %dma_start3A_54] : memref<8x1000000xf32, #tpu.memory_space<hbm>> -> memref<1x16896xf32, #tpu.memory_space<hbm>>
          %dma_start3A_56 = tpu.memref_squeeze %dma_start3A_55 : memref<1x16896xf32, #tpu.memory_space<hbm>> -> memref<16896xf32, #tpu.memory_space<hbm>>
          %dma_start3A_57 = arith.constant 983040 : i32
          %dma_start3A_58 = tpu.memref_slice %arg3[%select_n3A, %dma_start3A_57] : memref<8x1000000xf32, #tpu.memory_space<hbm>> -> memref<1x16896xf32, #tpu.memory_space<hbm>>
          %dma_start3A_59 = tpu.memref_squeeze %dma_start3A_58 : memref<1x16896xf32, #tpu.memory_space<hbm>> -> memref<16896xf32, #tpu.memory_space<hbm>>
          %dma_start3A_60 = arith.constant 0 : i32
          %dma_start3A_61 = tpu.memref_slice %arg4[%dma_start3A_60] : memref<65536xf32, #tpu.memory_space<vmem>> -> memref<16896xf32, #tpu.memory_space<vmem>>
          tpu.enqueue_dma source(%dma_start3A_61 : memref<16896xf32, #tpu.memory_space<vmem>>) target(%dma_start3A_59 : memref<16896xf32, #tpu.memory_space<hbm>>) target_semaphore(%run_scoped3A : memref<!tpu.dma_semaphore, #tpu.memory_space<semaphore_mem>>)
          %dma_wait3A = arith.constant 0 : i32
          %dma_wait3A_62 = tpu.memref_slice %arg4[%dma_wait3A] : memref<65536xf32, #tpu.memory_space<vmem>> -> memref<16896xf32, #tpu.memory_space<vmem>>
          %dma_wait3A_63 = arith.constant 983040 : i32
          %dma_wait3A_64 = tpu.memref_slice %arg3[%select_n3A, %dma_wait3A_63] : memref<8x1000000xf32, #tpu.memory_space<hbm>> -> memref<1x16896xf32, #tpu.memory_space<hbm>>
          %dma_wait3A_65 = tpu.memref_squeeze %dma_wait3A_64 : memref<1x16896xf32, #tpu.memory_space<hbm>> -> memref<16896xf32, #tpu.memory_space<hbm>>
          %dma_wait3A_66 = arith.constant 983040 : i32
          %dma_wait3A_67 = tpu.memref_slice %arg3[%select_n3A, %dma_wait3A_66] : memref<8x1000000xf32, #tpu.memory_space<hbm>> -> memref<1x16896xf32, #tpu.memory_space<hbm>>
          %dma_wait3A_68 = tpu.memref_squeeze %dma_wait3A_67 : memref<1x16896xf32, #tpu.memory_space<hbm>> -> memref<16896xf32, #tpu.memory_space<hbm>>
          %dma_wait3A_69 = arith.constant 0 : i32
          %dma_wait3A_70 = tpu.memref_slice %arg4[%dma_wait3A_69] : memref<65536xf32, #tpu.memory_space<vmem>> -> memref<16896xf32, #tpu.memory_space<vmem>>
          tpu.wait_dma2 semaphore(%run_scoped3A : memref<!tpu.dma_semaphore, #tpu.memory_space<semaphore_mem>>) src(%dma_wait3A_70 : memref<16896xf32, #tpu.memory_space<vmem>>) dst(%dma_wait3A_68 : memref<16896xf32, #tpu.memory_space<hbm>>)
          tpu.yield
        }) : () -> ()
      } else {
      }
      %scan3A_50 = arith.constant 0 : i32
      scf.yield %scan3A_50 : i32
    }
    %scan3A_36 = arith.constant 4 : i32
    return
  }
}

module attributes {stable_mosaic.version = 14 : i64} {
  func.func @_fused_kernel(%arg0: i32, %arg1: i32, %arg2: i32, %arg3: memref<8x98304xf32, #tpu.memory_space<vmem>>, %arg4: memref<8x98304xf32, #tpu.memory_space<vmem>>, %arg5: memref<11x8x98304xbf16, #tpu.memory_space<vmem>>, %arg6: memref<8x4096xf32, #tpu.memory_space<vmem>>, %arg7: memref<8x1xf32, #tpu.memory_space<vmem>>) attributes {dimension_semantics = [#tpu.dimension_semantics<parallel>, #tpu.dimension_semantics<arbitrary>, #tpu.dimension_semantics<arbitrary>], iteration_bounds = array<i64: 3, 2, 11>, scalar_prefetch = 0 : i64, scratch_operands = 3 : i64, tpu.core_type = #tpu.core_type<tc>, window_params = [{transform_indices = @transform_0, window_bounds = array<i64: 8, 98304>}, {transform_indices = @transform_1, window_bounds = array<i64: 8, 98304>}]} {
    %eq3A = arith.constant 0 : i32
    %eq3A_0 = arith.cmpi eq, %arg1, %eq3A : i32
    %convert_element_type3A = arith.extui %eq3A_0 : i1 to i32
    %cond3A = arith.constant 2.40449166 : f32
    %cond3A_1 = arith.constant 0 : i32
    %cond3A_2 = arith.cmpi ne, %convert_element_type3A, %cond3A_1 : i32
    scf.if %cond3A_2 {
      %eq3A_8 = arith.constant 0 : i32
      %eq3A_9 = arith.cmpi eq, %arg2, %eq3A_8 : i32
      %convert_element_type3A_10 = arith.extui %eq3A_9 : i1 to i32
      %cond3A_11 = arith.constant 0 : i32
      %cond3A_12 = arith.cmpi ne, %convert_element_type3A_10, %cond3A_11 : i32
      scf.if %cond3A_12 {
        %broadcast_in_dim3A = arith.constant 0.000000e+00 : f32
        %broadcast_in_dim3A_22 = vector.broadcast %broadcast_in_dim3A : f32 to vector<8x4096xf32>
        %swap3A = arith.constant 0 : index
        %swap3A_23 = arith.constant 0 : index
        %swap3A_24 = vector.load %arg6[%swap3A, %swap3A_23] : memref<8x4096xf32, #tpu.memory_space<vmem>>, vector<8x4096xf32>
        tpu.vector_store %arg6[%swap3A, %swap3A_23], %broadcast_in_dim3A_22 {strides = array<i32>} : memref<8x4096xf32, #tpu.memory_space<vmem>>, vector<8x4096xf32>,
      } else {
      }
      %lt3A = arith.constant 10 : i32
      %lt3A_13 = arith.cmpi slt, %arg2, %lt3A : i32
      %convert_element_type3A_14 = arith.extui %lt3A_13 : i1 to i32
      %cond3A_15 = arith.constant 0 : i32
      %cond3A_16 = arith.cmpi ne, %convert_element_type3A_14, %cond3A_15 : i32
      scf.if %cond3A_16 {
        %get3A = arith.constant 0 : index
        %get3A_22 = arith.constant 0 : index
        %get3A_23 = vector.load %arg6[%get3A, %get3A_22] : memref<8x4096xf32, #tpu.memory_space<vmem>>, vector<8x4096xf32>
        %get3A_24 = arith.constant 0 : index
        %get3A_25 = arith.constant 0 : index
        %get3A_26 = vector.load %arg3[%get3A_24, %get3A_25] : memref<8x98304xf32, #tpu.memory_space<vmem>>, vector<8x4096xf32>
        %mul3A = vector.broadcast %cond3A : f32 to vector<8x4096xf32>
        %mul3A_27 = arith.mulf %get3A_26, %mul3A : vector<8x4096xf32>
        %exp23A = math.exp2 %mul3A_27 : vector<8x4096xf32>
        %add3A = arith.addf %get3A_23, %exp23A : vector<8x4096xf32>
        %convert_element_type3A_28 = arith.truncf %get3A_26 : vector<8x4096xf32> to vector<8x4096xbf16>
        %swap3A = arith.index_cast %arg2 : i32 to index
        %swap3A_29 = arith.constant 0 : index
        %swap3A_30 = arith.constant 0 : index
        %swap3A_31 = vector.load %arg5[%swap3A, %swap3A_29, %swap3A_30] : memref<11x8x98304xbf16, #tpu.memory_space<vmem>>, vector<1x8x4096xbf16>
        %swap3A_32 = vector.shape_cast %swap3A_31 : vector<1x8x4096xbf16> to vector<8x4096xbf16>
        %swap3A_33 = vector.shape_cast %convert_element_type3A_28 : vector<8x4096xbf16> to vector<1x8x4096xbf16>
        tpu.vector_store %arg5[%swap3A, %swap3A_29, %swap3A_30], %swap3A_33 {strides = array<i32>} : memref<11x8x98304xbf16, #tpu.memory_space<vmem>>, vector<1x8x4096xbf16>,
        %get3A_34 = arith.constant 0 : index
        %get3A_35 = arith.constant 4096 : index
        %get3A_36 = vector.load %arg3[%get3A_34, %get3A_35] : memref<8x98304xf32, #tpu.memory_space<vmem>>, vector<8x4096xf32>
        %mul3A_37 = vector.broadcast %cond3A : f32 to vector<8x4096xf32>
        %mul3A_38 = arith.mulf %get3A_36, %mul3A_37 : vector<8x4096xf32>
        %exp23A_39 = math.exp2 %mul3A_38 : vector<8x4096xf32>
        %add3A_40 = arith.addf %add3A, %exp23A_39 : vector<8x4096xf32>
        %convert_element_type3A_41 = arith.truncf %get3A_36 : vector<8x4096xf32> to vector<8x4096xbf16>
        %swap3A_42 = arith.index_cast %arg2 : i32 to index
        %swap3A_43 = arith.constant 0 : index
        %swap3A_44 = arith.constant 4096 : index
        %swap3A_45 = vector.load %arg5[%swap3A_42, %swap3A_43, %swap3A_44] : memref<11x8x98304xbf16, #tpu.memory_space<vmem>>, vector<1x8x4096xbf16>
        %swap3A_46 = vector.shape_cast %swap3A_45 : vector<1x8x4096xbf16> to vector<8x4096xbf16>
        %swap3A_47 = vector.shape_cast %convert_element_type3A_41 : vector<8x4096xbf16> to vector<1x8x4096xbf16>
        tpu.vector_store %arg5[%swap3A_42, %swap3A_43, %swap3A_44], %swap3A_47 {strides = array<i32>} : memref<11x8x98304xbf16, #tpu.memory_space<vmem>>, vector<1x8x4096xbf16>,
        %get3A_48 = arith.constant 0 : index
        %get3A_49 = arith.constant 8192 : index
        %get3A_50 = vector.load %arg3[%get3A_48, %get3A_49] : memref<8x98304xf32, #tpu.memory_space<vmem>>, vector<8x4096xf32>
        %mul3A_51 = vector.broadcast %cond3A : f32 to vector<8x4096xf32>
        %mul3A_52 = arith.mulf %get3A_50, %mul3A_51 : vector<8x4096xf32>
        %exp23A_53 = math.exp2 %mul3A_52 : vector<8x4096xf32>
        %add3A_54 = arith.addf %add3A_40, %exp23A_53 : vector<8x4096xf32>
        %convert_element_type3A_55 = arith.truncf %get3A_50 : vector<8x4096xf32> to vector<8x4096xbf16>
        %swap3A_56 = arith.index_cast %arg2 : i32 to index
        %swap3A_57 = arith.constant 0 : index
        %swap3A_58 = arith.constant 8192 : index
        %swap3A_59 = vector.load %arg5[%swap3A_56, %swap3A_57, %swap3A_58] : memref<11x8x98304xbf16, #tpu.memory_space<vmem>>, vector<1x8x4096xbf16>
        %swap3A_60 = vector.shape_cast %swap3A_59 : vector<1x8x4096xbf16> to vector<8x4096xbf16>
        %swap3A_61 = vector.shape_cast %convert_element_type3A_55 : vector<8x4096xbf16> to vector<1x8x4096xbf16>
        tpu.vector_store %arg5[%swap3A_56, %swap3A_57, %swap3A_58], %swap3A_61 {strides = array<i32>} : memref<11x8x98304xbf16, #tpu.memory_space<vmem>>, vector<1x8x4096xbf16>,
        %get3A_62 = arith.constant 0 : index
        %get3A_63 = arith.constant 12288 : index
        %get3A_64 = vector.load %arg3[%get3A_62, %get3A_63] : memref<8x98304xf32, #tpu.memory_space<vmem>>, vector<8x4096xf32>
        %mul3A_65 = vector.broadcast %cond3A : f32 to vector<8x4096xf32>
        %mul3A_66 = arith.mulf %get3A_64, %mul3A_65 : vector<8x4096xf32>
        %exp23A_67 = math.exp2 %mul3A_66 : vector<8x4096xf32>
        %add3A_68 = arith.addf %add3A_54, %exp23A_67 : vector<8x4096xf32>
        %convert_element_type3A_69 = arith.truncf %get3A_64 : vector<8x4096xf32> to vector<8x4096xbf16>
        %swap3A_70 = arith.index_cast %arg2 : i32 to index
        %swap3A_71 = arith.constant 0 : index
        %swap3A_72 = arith.constant 12288 : index
        %swap3A_73 = vector.load %arg5[%swap3A_70, %swap3A_71, %swap3A_72] : memref<11x8x98304xbf16, #tpu.memory_space<vmem>>, vector<1x8x4096xbf16>
        %swap3A_74 = vector.shape_cast %swap3A_73 : vector<1x8x4096xbf16> to vector<8x4096xbf16>
        %swap3A_75 = vector.shape_cast %convert_element_type3A_69 : vector<8x4096xbf16> to vector<1x8x4096xbf16>
        tpu.vector_store %arg5[%swap3A_70, %swap3A_71, %swap3A_72], %swap3A_75 {strides = array<i32>} : memref<11x8x98304xbf16, #tpu.memory_space<vmem>>, vector<1x8x4096xbf16>,
        %get3A_76 = arith.constant 0 : index
        %get3A_77 = arith.constant 16384 : index
        %get3A_78 = vector.load %arg3[%get3A_76, %get3A_77] : memref<8x98304xf32, #tpu.memory_space<vmem>>, vector<8x4096xf32>
        %mul3A_79 = vector.broadcast %cond3A : f32 to vector<8x4096xf32>
        %mul3A_80 = arith.mulf %get3A_78, %mul3A_79 : vector<8x4096xf32>
        %exp23A_81 = math.exp2 %mul3A_80 : vector<8x4096xf32>
        %add3A_82 = arith.addf %add3A_68, %exp23A_81 : vector<8x4096xf32>
        %convert_element_type3A_83 = arith.truncf %get3A_78 : vector<8x4096xf32> to vector<8x4096xbf16>
        %swap3A_84 = arith.index_cast %arg2 : i32 to index
        %swap3A_85 = arith.constant 0 : index
        %swap3A_86 = arith.constant 16384 : index
        %swap3A_87 = vector.load %arg5[%swap3A_84, %swap3A_85, %swap3A_86] : memref<11x8x98304xbf16, #tpu.memory_space<vmem>>, vector<1x8x4096xbf16>
        %swap3A_88 = vector.shape_cast %swap3A_87 : vector<1x8x4096xbf16> to vector<8x4096xbf16>
        %swap3A_89 = vector.shape_cast %convert_element_type3A_83 : vector<8x4096xbf16> to vector<1x8x4096xbf16>
        tpu.vector_store %arg5[%swap3A_84, %swap3A_85, %swap3A_86], %swap3A_89 {strides = array<i32>} : memref<11x8x98304xbf16, #tpu.memory_space<vmem>>, vector<1x8x4096xbf16>,
        %get3A_90 = arith.constant 0 : index
        %get3A_91 = arith.constant 20480 : index
        %get3A_92 = vector.load %arg3[%get3A_90, %get3A_91] : memref<8x98304xf32, #tpu.memory_space<vmem>>, vector<8x4096xf32>
        %mul3A_93 = vector.broadcast %cond3A : f32 to vector<8x4096xf32>
        %mul3A_94 = arith.mulf %get3A_92, %mul3A_93 : vector<8x4096xf32>
        %exp23A_95 = math.exp2 %mul3A_94 : vector<8x4096xf32>
        %add3A_96 = arith.addf %add3A_82, %exp23A_95 : vector<8x4096xf32>
        %convert_element_type3A_97 = arith.truncf %get3A_92 : vector<8x4096xf32> to vector<8x4096xbf16>
        %swap3A_98 = arith.index_cast %arg2 : i32 to index
        %swap3A_99 = arith.constant 0 : index
        %swap3A_100 = arith.constant 20480 : index
        %swap3A_101 = vector.load %arg5[%swap3A_98, %swap3A_99, %swap3A_100] : memref<11x8x98304xbf16, #tpu.memory_space<vmem>>, vector<1x8x4096xbf16>
        %swap3A_102 = vector.shape_cast %swap3A_101 : vector<1x8x4096xbf16> to vector<8x4096xbf16>
        %swap3A_103 = vector.shape_cast %convert_element_type3A_97 : vector<8x4096xbf16> to vector<1x8x4096xbf16>
        tpu.vector_store %arg5[%swap3A_98, %swap3A_99, %swap3A_100], %swap3A_103 {strides = array<i32>} : memref<11x8x98304xbf16, #tpu.memory_space<vmem>>, vector<1x8x4096xbf16>,
        %get3A_104 = arith.constant 0 : index
        %get3A_105 = arith.constant 24576 : index
        %get3A_106 = vector.load %arg3[%get3A_104, %get3A_105] : memref<8x98304xf32, #tpu.memory_space<vmem>>, vector<8x4096xf32>
        %mul3A_107 = vector.broadcast %cond3A : f32 to vector<8x4096xf32>
        %mul3A_108 = arith.mulf %get3A_106, %mul3A_107 : vector<8x4096xf32>
        %exp23A_109 = math.exp2 %mul3A_108 : vector<8x4096xf32>
        %add3A_110 = arith.addf %add3A_96, %exp23A_109 : vector<8x4096xf32>
        %convert_element_type3A_111 = arith.truncf %get3A_106 : vector<8x4096xf32> to vector<8x4096xbf16>
        %swap3A_112 = arith.index_cast %arg2 : i32 to index
        %swap3A_113 = arith.constant 0 : index
        %swap3A_114 = arith.constant 24576 : index
        %swap3A_115 = vector.load %arg5[%swap3A_112, %swap3A_113, %swap3A_114] : memref<11x8x98304xbf16, #tpu.memory_space<vmem>>, vector<1x8x4096xbf16>
        %swap3A_116 = vector.shape_cast %swap3A_115 : vector<1x8x4096xbf16> to vector<8x4096xbf16>
        %swap3A_117 = vector.shape_cast %convert_element_type3A_111 : vector<8x4096xbf16> to vector<1x8x4096xbf16>
        tpu.vector_store %arg5[%swap3A_112, %swap3A_113, %swap3A_114], %swap3A_117 {strides = array<i32>} : memref<11x8x98304xbf16, #tpu.memory_space<vmem>>, vector<1x8x4096xbf16>,
        %get3A_118 = arith.constant 0 : index
        %get3A_119 = arith.constant 28672 : index
        %get3A_120 = vector.load %arg3[%get3A_118, %get3A_119] : memref<8x98304xf32, #tpu.memory_space<vmem>>, vector<8x4096xf32>
        %mul3A_121 = vector.broadcast %cond3A : f32 to vector<8x4096xf32>
        %mul3A_122 = arith.mulf %get3A_120, %mul3A_121 : vector<8x4096xf32>
        %exp23A_123 = math.exp2 %mul3A_122 : vector<8x4096xf32>
        %add3A_124 = arith.addf %add3A_110, %exp23A_123 : vector<8x4096xf32>
        %convert_element_type3A_125 = arith.truncf %get3A_120 : vector<8x4096xf32> to vector<8x4096xbf16>
        %swap3A_126 = arith.index_cast %arg2 : i32 to index
        %swap3A_127 = arith.constant 0 : index
        %swap3A_128 = arith.constant 28672 : index
        %swap3A_129 = vector.load %arg5[%swap3A_126, %swap3A_127, %swap3A_128] : memref<11x8x98304xbf16, #tpu.memory_space<vmem>>, vector<1x8x4096xbf16>
        %swap3A_130 = vector.shape_cast %swap3A_129 : vector<1x8x4096xbf16> to vector<8x4096xbf16>
        %swap3A_131 = vector.shape_cast %convert_element_type3A_125 : vector<8x4096xbf16> to vector<1x8x4096xbf16>
        tpu.vector_store %arg5[%swap3A_126, %swap3A_127, %swap3A_128], %swap3A_131 {strides = array<i32>} : memref<11x8x98304xbf16, #tpu.memory_space<vmem>>, vector<1x8x4096xbf16>,
        %get3A_132 = arith.constant 0 : index
        %get3A_133 = arith.constant 32768 : index
        %get3A_134 = vector.load %arg3[%get3A_132, %get3A_133] : memref<8x98304xf32, #tpu.memory_space<vmem>>, vector<8x4096xf32>
        %mul3A_135 = vector.broadcast %cond3A : f32 to vector<8x4096xf32>
        %mul3A_136 = arith.mulf %get3A_134, %mul3A_135 : vector<8x4096xf32>
        %exp23A_137 = math.exp2 %mul3A_136 : vector<8x4096xf32>
        %add3A_138 = arith.addf %add3A_124, %exp23A_137 : vector<8x4096xf32>
        %convert_element_type3A_139 = arith.truncf %get3A_134 : vector<8x4096xf32> to vector<8x4096xbf16>
        %swap3A_140 = arith.index_cast %arg2 : i32 to index
        %swap3A_141 = arith.constant 0 : index
        %swap3A_142 = arith.constant 32768 : index
        %swap3A_143 = vector.load %arg5[%swap3A_140, %swap3A_141, %swap3A_142] : memref<11x8x98304xbf16, #tpu.memory_space<vmem>>, vector<1x8x4096xbf16>
        %swap3A_144 = vector.shape_cast %swap3A_143 : vector<1x8x4096xbf16> to vector<8x4096xbf16>
        %swap3A_145 = vector.shape_cast %convert_element_type3A_139 : vector<8x4096xbf16> to vector<1x8x4096xbf16>
        tpu.vector_store %arg5[%swap3A_140, %swap3A_141, %swap3A_142], %swap3A_145 {strides = array<i32>} : memref<11x8x98304xbf16, #tpu.memory_space<vmem>>, vector<1x8x4096xbf16>,
        %get3A_146 = arith.constant 0 : index
        %get3A_147 = arith.constant 36864 : index
        %get3A_148 = vector.load %arg3[%get3A_146, %get3A_147] : memref<8x98304xf32, #tpu.memory_space<vmem>>, vector<8x4096xf32>
        %mul3A_149 = vector.broadcast %cond3A : f32 to vector<8x4096xf32>
        %mul3A_150 = arith.mulf %get3A_148, %mul3A_149 : vector<8x4096xf32>
        %exp23A_151 = math.exp2 %mul3A_150 : vector<8x4096xf32>
        %add3A_152 = arith.addf %add3A_138, %exp23A_151 : vector<8x4096xf32>
        %convert_element_type3A_153 = arith.truncf %get3A_148 : vector<8x4096xf32> to vector<8x4096xbf16>
        %swap3A_154 = arith.index_cast %arg2 : i32 to index
        %swap3A_155 = arith.constant 0 : index
        %swap3A_156 = arith.constant 36864 : index
        %swap3A_157 = vector.load %arg5[%swap3A_154, %swap3A_155, %swap3A_156] : memref<11x8x98304xbf16, #tpu.memory_space<vmem>>, vector<1x8x4096xbf16>
        %swap3A_158 = vector.shape_cast %swap3A_157 : vector<1x8x4096xbf16> to vector<8x4096xbf16>
        %swap3A_159 = vector.shape_cast %convert_element_type3A_153 : vector<8x4096xbf16> to vector<1x8x4096xbf16>
        tpu.vector_store %arg5[%swap3A_154, %swap3A_155, %swap3A_156], %swap3A_159 {strides = array<i32>} : memref<11x8x98304xbf16, #tpu.memory_space<vmem>>, vector<1x8x4096xbf16>,
        %get3A_160 = arith.constant 0 : index
        %get3A_161 = arith.constant 40960 : index
        %get3A_162 = vector.load %arg3[%get3A_160, %get3A_161] : memref<8x98304xf32, #tpu.memory_space<vmem>>, vector<8x4096xf32>
        %mul3A_163 = vector.broadcast %cond3A : f32 to vector<8x4096xf32>
        %mul3A_164 = arith.mulf %get3A_162, %mul3A_163 : vector<8x4096xf32>
        %exp23A_165 = math.exp2 %mul3A_164 : vector<8x4096xf32>
        %add3A_166 = arith.addf %add3A_152, %exp23A_165 : vector<8x4096xf32>
        %convert_element_type3A_167 = arith.truncf %get3A_162 : vector<8x4096xf32> to vector<8x4096xbf16>
        %swap3A_168 = arith.index_cast %arg2 : i32 to index
        %swap3A_169 = arith.constant 0 : index
        %swap3A_170 = arith.constant 40960 : index
        %swap3A_171 = vector.load %arg5[%swap3A_168, %swap3A_169, %swap3A_170] : memref<11x8x98304xbf16, #tpu.memory_space<vmem>>, vector<1x8x4096xbf16>
        %swap3A_172 = vector.shape_cast %swap3A_171 : vector<1x8x4096xbf16> to vector<8x4096xbf16>
        %swap3A_173 = vector.shape_cast %convert_element_type3A_167 : vector<8x4096xbf16> to vector<1x8x4096xbf16>
        tpu.vector_store %arg5[%swap3A_168, %swap3A_169, %swap3A_170], %swap3A_173 {strides = array<i32>} : memref<11x8x98304xbf16, #tpu.memory_space<vmem>>, vector<1x8x4096xbf16>,
        %get3A_174 = arith.constant 0 : index
        %get3A_175 = arith.constant 45056 : index
        %get3A_176 = vector.load %arg3[%get3A_174, %get3A_175] : memref<8x98304xf32, #tpu.memory_space<vmem>>, vector<8x4096xf32>
        %mul3A_177 = vector.broadcast %cond3A : f32 to vector<8x4096xf32>
        %mul3A_178 = arith.mulf %get3A_176, %mul3A_177 : vector<8x4096xf32>
        %exp23A_179 = math.exp2 %mul3A_178 : vector<8x4096xf32>
        %add3A_180 = arith.addf %add3A_166, %exp23A_179 : vector<8x4096xf32>
        %convert_element_type3A_181 = arith.truncf %get3A_176 : vector<8x4096xf32> to vector<8x4096xbf16>
        %swap3A_182 = arith.index_cast %arg2 : i32 to index
        %swap3A_183 = arith.constant 0 : index
        %swap3A_184 = arith.constant 45056 : index
        %swap3A_185 = vector.load %arg5[%swap3A_182, %swap3A_183, %swap3A_184] : memref<11x8x98304xbf16, #tpu.memory_space<vmem>>, vector<1x8x4096xbf16>
        %swap3A_186 = vector.shape_cast %swap3A_185 : vector<1x8x4096xbf16> to vector<8x4096xbf16>
        %swap3A_187 = vector.shape_cast %convert_element_type3A_181 : vector<8x4096xbf16> to vector<1x8x4096xbf16>
        tpu.vector_store %arg5[%swap3A_182, %swap3A_183, %swap3A_184], %swap3A_187 {strides = array<i32>} : memref<11x8x98304xbf16, #tpu.memory_space<vmem>>, vector<1x8x4096xbf16>,
        %get3A_188 = arith.constant 0 : index
        %get3A_189 = arith.constant 49152 : index
        %get3A_190 = vector.load %arg3[%get3A_188, %get3A_189] : memref<8x98304xf32, #tpu.memory_space<vmem>>, vector<8x4096xf32>
        %mul3A_191 = vector.broadcast %cond3A : f32 to vector<8x4096xf32>
        %mul3A_192 = arith.mulf %get3A_190, %mul3A_191 : vector<8x4096xf32>
        %exp23A_193 = math.exp2 %mul3A_192 : vector<8x4096xf32>
        %add3A_194 = arith.addf %add3A_180, %exp23A_193 : vector<8x4096xf32>
        %convert_element_type3A_195 = arith.truncf %get3A_190 : vector<8x4096xf32> to vector<8x4096xbf16>
        %swap3A_196 = arith.index_cast %arg2 : i32 to index
        %swap3A_197 = arith.constant 0 : index
        %swap3A_198 = arith.constant 49152 : index
        %swap3A_199 = vector.load %arg5[%swap3A_196, %swap3A_197, %swap3A_198] : memref<11x8x98304xbf16, #tpu.memory_space<vmem>>, vector<1x8x4096xbf16>
        %swap3A_200 = vector.shape_cast %swap3A_199 : vector<1x8x4096xbf16> to vector<8x4096xbf16>
        %swap3A_201 = vector.shape_cast %convert_element_type3A_195 : vector<8x4096xbf16> to vector<1x8x4096xbf16>
        tpu.vector_store %arg5[%swap3A_196, %swap3A_197, %swap3A_198], %swap3A_201 {strides = array<i32>} : memref<11x8x98304xbf16, #tpu.memory_space<vmem>>, vector<1x8x4096xbf16>,
        %get3A_202 = arith.constant 0 : index
        %get3A_203 = arith.constant 53248 : index
        %get3A_204 = vector.load %arg3[%get3A_202, %get3A_203] : memref<8x98304xf32, #tpu.memory_space<vmem>>, vector<8x4096xf32>
        %mul3A_205 = vector.broadcast %cond3A : f32 to vector<8x4096xf32>
        %mul3A_206 = arith.mulf %get3A_204, %mul3A_205 : vector<8x4096xf32>
        %exp23A_207 = math.exp2 %mul3A_206 : vector<8x4096xf32>
        %add3A_208 = arith.addf %add3A_194, %exp23A_207 : vector<8x4096xf32>
        %convert_element_type3A_209 = arith.truncf %get3A_204 : vector<8x4096xf32> to vector<8x4096xbf16>
        %swap3A_210 = arith.index_cast %arg2 : i32 to index
        %swap3A_211 = arith.constant 0 : index
        %swap3A_212 = arith.constant 53248 : index
        %swap3A_213 = vector.load %arg5[%swap3A_210, %swap3A_211, %swap3A_212] : memref<11x8x98304xbf16, #tpu.memory_space<vmem>>, vector<1x8x4096xbf16>
        %swap3A_214 = vector.shape_cast %swap3A_213 : vector<1x8x4096xbf16> to vector<8x4096xbf16>
        %swap3A_215 = vector.shape_cast %convert_element_type3A_209 : vector<8x4096xbf16> to vector<1x8x4096xbf16>
        tpu.vector_store %arg5[%swap3A_210, %swap3A_211, %swap3A_212], %swap3A_215 {strides = array<i32>} : memref<11x8x98304xbf16, #tpu.memory_space<vmem>>, vector<1x8x4096xbf16>,
        %get3A_216 = arith.constant 0 : index
        %get3A_217 = arith.constant 57344 : index
        %get3A_218 = vector.load %arg3[%get3A_216, %get3A_217] : memref<8x98304xf32, #tpu.memory_space<vmem>>, vector<8x4096xf32>
        %mul3A_219 = vector.broadcast %cond3A : f32 to vector<8x4096xf32>
        %mul3A_220 = arith.mulf %get3A_218, %mul3A_219 : vector<8x4096xf32>
        %exp23A_221 = math.exp2 %mul3A_220 : vector<8x4096xf32>
        %add3A_222 = arith.addf %add3A_208, %exp23A_221 : vector<8x4096xf32>
        %convert_element_type3A_223 = arith.truncf %get3A_218 : vector<8x4096xf32> to vector<8x4096xbf16>
        %swap3A_224 = arith.index_cast %arg2 : i32 to index
        %swap3A_225 = arith.constant 0 : index
        %swap3A_226 = arith.constant 57344 : index
        %swap3A_227 = vector.load %arg5[%swap3A_224, %swap3A_225, %swap3A_226] : memref<11x8x98304xbf16, #tpu.memory_space<vmem>>, vector<1x8x4096xbf16>
        %swap3A_228 = vector.shape_cast %swap3A_227 : vector<1x8x4096xbf16> to vector<8x4096xbf16>
        %swap3A_229 = vector.shape_cast %convert_element_type3A_223 : vector<8x4096xbf16> to vector<1x8x4096xbf16>
        tpu.vector_store %arg5[%swap3A_224, %swap3A_225, %swap3A_226], %swap3A_229 {strides = array<i32>} : memref<11x8x98304xbf16, #tpu.memory_space<vmem>>, vector<1x8x4096xbf16>,
        %get3A_230 = arith.constant 0 : index
        %get3A_231 = arith.constant 61440 : index
        %get3A_232 = vector.load %arg3[%get3A_230, %get3A_231] : memref<8x98304xf32, #tpu.memory_space<vmem>>, vector<8x4096xf32>
        %mul3A_233 = vector.broadcast %cond3A : f32 to vector<8x4096xf32>
        %mul3A_234 = arith.mulf %get3A_232, %mul3A_233 : vector<8x4096xf32>
        %exp23A_235 = math.exp2 %mul3A_234 : vector<8x4096xf32>
        %add3A_236 = arith.addf %add3A_222, %exp23A_235 : vector<8x4096xf32>
        %convert_element_type3A_237 = arith.truncf %get3A_232 : vector<8x4096xf32> to vector<8x4096xbf16>
        %swap3A_238 = arith.index_cast %arg2 : i32 to index
        %swap3A_239 = arith.constant 0 : index
        %swap3A_240 = arith.constant 61440 : index
        %swap3A_241 = vector.load %arg5[%swap3A_238, %swap3A_239, %swap3A_240] : memref<11x8x98304xbf16, #tpu.memory_space<vmem>>, vector<1x8x4096xbf16>
        %swap3A_242 = vector.shape_cast %swap3A_241 : vector<1x8x4096xbf16> to vector<8x4096xbf16>
        %swap3A_243 = vector.shape_cast %convert_element_type3A_237 : vector<8x4096xbf16> to vector<1x8x4096xbf16>
        tpu.vector_store %arg5[%swap3A_238, %swap3A_239, %swap3A_240], %swap3A_243 {strides = array<i32>} : memref<11x8x98304xbf16, #tpu.memory_space<vmem>>, vector<1x8x4096xbf16>,
        %get3A_244 = arith.constant 0 : index
        %get3A_245 = arith.constant 65536 : index
        %get3A_246 = vector.load %arg3[%get3A_244, %get3A_245] : memref<8x98304xf32, #tpu.memory_space<vmem>>, vector<8x4096xf32>
        %mul3A_247 = vector.broadcast %cond3A : f32 to vector<8x4096xf32>
        %mul3A_248 = arith.mulf %get3A_246, %mul3A_247 : vector<8x4096xf32>
        %exp23A_249 = math.exp2 %mul3A_248 : vector<8x4096xf32>
        %add3A_250 = arith.addf %add3A_236, %exp23A_249 : vector<8x4096xf32>
        %convert_element_type3A_251 = arith.truncf %get3A_246 : vector<8x4096xf32> to vector<8x4096xbf16>
        %swap3A_252 = arith.index_cast %arg2 : i32 to index
        %swap3A_253 = arith.constant 0 : index
        %swap3A_254 = arith.constant 65536 : index
        %swap3A_255 = vector.load %arg5[%swap3A_252, %swap3A_253, %swap3A_254] : memref<11x8x98304xbf16, #tpu.memory_space<vmem>>, vector<1x8x4096xbf16>
        %swap3A_256 = vector.shape_cast %swap3A_255 : vector<1x8x4096xbf16> to vector<8x4096xbf16>
        %swap3A_257 = vector.shape_cast %convert_element_type3A_251 : vector<8x4096xbf16> to vector<1x8x4096xbf16>
        tpu.vector_store %arg5[%swap3A_252, %swap3A_253, %swap3A_254], %swap3A_257 {strides = array<i32>} : memref<11x8x98304xbf16, #tpu.memory_space<vmem>>, vector<1x8x4096xbf16>,
        %get3A_258 = arith.constant 0 : index
        %get3A_259 = arith.constant 69632 : index
        %get3A_260 = vector.load %arg3[%get3A_258, %get3A_259] : memref<8x98304xf32, #tpu.memory_space<vmem>>, vector<8x4096xf32>
        %mul3A_261 = vector.broadcast %cond3A : f32 to vector<8x4096xf32>
        %mul3A_262 = arith.mulf %get3A_260, %mul3A_261 : vector<8x4096xf32>
        %exp23A_263 = math.exp2 %mul3A_262 : vector<8x4096xf32>
        %add3A_264 = arith.addf %add3A_250, %exp23A_263 : vector<8x4096xf32>
        %convert_element_type3A_265 = arith.truncf %get3A_260 : vector<8x4096xf32> to vector<8x4096xbf16>
        %swap3A_266 = arith.index_cast %arg2 : i32 to index
        %swap3A_267 = arith.constant 0 : index
        %swap3A_268 = arith.constant 69632 : index
        %swap3A_269 = vector.load %arg5[%swap3A_266, %swap3A_267, %swap3A_268] : memref<11x8x98304xbf16, #tpu.memory_space<vmem>>, vector<1x8x4096xbf16>
        %swap3A_270 = vector.shape_cast %swap3A_269 : vector<1x8x4096xbf16> to vector<8x4096xbf16>
        %swap3A_271 = vector.shape_cast %convert_element_type3A_265 : vector<8x4096xbf16> to vector<1x8x4096xbf16>
        tpu.vector_store %arg5[%swap3A_266, %swap3A_267, %swap3A_268], %swap3A_271 {strides = array<i32>} : memref<11x8x98304xbf16, #tpu.memory_space<vmem>>, vector<1x8x4096xbf16>,
        %get3A_272 = arith.constant 0 : index
        %get3A_273 = arith.constant 73728 : index
        %get3A_274 = vector.load %arg3[%get3A_272, %get3A_273] : memref<8x98304xf32, #tpu.memory_space<vmem>>, vector<8x4096xf32>
        %mul3A_275 = vector.broadcast %cond3A : f32 to vector<8x4096xf32>
        %mul3A_276 = arith.mulf %get3A_274, %mul3A_275 : vector<8x4096xf32>
        %exp23A_277 = math.exp2 %mul3A_276 : vector<8x4096xf32>
        %add3A_278 = arith.addf %add3A_264, %exp23A_277 : vector<8x4096xf32>
        %convert_element_type3A_279 = arith.truncf %get3A_274 : vector<8x4096xf32> to vector<8x4096xbf16>
        %swap3A_280 = arith.index_cast %arg2 : i32 to index
        %swap3A_281 = arith.constant 0 : index
        %swap3A_282 = arith.constant 73728 : index
        %swap3A_283 = vector.load %arg5[%swap3A_280, %swap3A_281, %swap3A_282] : memref<11x8x98304xbf16, #tpu.memory_space<vmem>>, vector<1x8x4096xbf16>
        %swap3A_284 = vector.shape_cast %swap3A_283 : vector<1x8x4096xbf16> to vector<8x4096xbf16>
        %swap3A_285 = vector.shape_cast %convert_element_type3A_279 : vector<8x4096xbf16> to vector<1x8x4096xbf16>
        tpu.vector_store %arg5[%swap3A_280, %swap3A_281, %swap3A_282], %swap3A_285 {strides = array<i32>} : memref<11x8x98304xbf16, #tpu.memory_space<vmem>>, vector<1x8x4096xbf16>,
        %get3A_286 = arith.constant 0 : index
        %get3A_287 = arith.constant 77824 : index
        %get3A_288 = vector.load %arg3[%get3A_286, %get3A_287] : memref<8x98304xf32, #tpu.memory_space<vmem>>, vector<8x4096xf32>
        %mul3A_289 = vector.broadcast %cond3A : f32 to vector<8x4096xf32>
        %mul3A_290 = arith.mulf %get3A_288, %mul3A_289 : vector<8x4096xf32>
        %exp23A_291 = math.exp2 %mul3A_290 : vector<8x4096xf32>
        %add3A_292 = arith.addf %add3A_278, %exp23A_291 : vector<8x4096xf32>
        %convert_element_type3A_293 = arith.truncf %get3A_288 : vector<8x4096xf32> to vector<8x4096xbf16>
        %swap3A_294 = arith.index_cast %arg2 : i32 to index
        %swap3A_295 = arith.constant 0 : index
        %swap3A_296 = arith.constant 77824 : index
        %swap3A_297 = vector.load %arg5[%swap3A_294, %swap3A_295, %swap3A_296] : memref<11x8x98304xbf16, #tpu.memory_space<vmem>>, vector<1x8x4096xbf16>
        %swap3A_298 = vector.shape_cast %swap3A_297 : vector<1x8x4096xbf16> to vector<8x4096xbf16>
        %swap3A_299 = vector.shape_cast %convert_element_type3A_293 : vector<8x4096xbf16> to vector<1x8x4096xbf16>
        tpu.vector_store %arg5[%swap3A_294, %swap3A_295, %swap3A_296], %swap3A_299 {strides = array<i32>} : memref<11x8x98304xbf16, #tpu.memory_space<vmem>>, vector<1x8x4096xbf16>,
        %get3A_300 = arith.constant 0 : index
        %get3A_301 = arith.constant 81920 : index
        %get3A_302 = vector.load %arg3[%get3A_300, %get3A_301] : memref<8x98304xf32, #tpu.memory_space<vmem>>, vector<8x4096xf32>
        %mul3A_303 = vector.broadcast %cond3A : f32 to vector<8x4096xf32>
        %mul3A_304 = arith.mulf %get3A_302, %mul3A_303 : vector<8x4096xf32>
        %exp23A_305 = math.exp2 %mul3A_304 : vector<8x4096xf32>
        %add3A_306 = arith.addf %add3A_292, %exp23A_305 : vector<8x4096xf32>
        %convert_element_type3A_307 = arith.truncf %get3A_302 : vector<8x4096xf32> to vector<8x4096xbf16>
        %swap3A_308 = arith.index_cast %arg2 : i32 to index
        %swap3A_309 = arith.constant 0 : index
        %swap3A_310 = arith.constant 81920 : index
        %swap3A_311 = vector.load %arg5[%swap3A_308, %swap3A_309, %swap3A_310] : memref<11x8x98304xbf16, #tpu.memory_space<vmem>>, vector<1x8x4096xbf16>
        %swap3A_312 = vector.shape_cast %swap3A_311 : vector<1x8x4096xbf16> to vector<8x4096xbf16>
        %swap3A_313 = vector.shape_cast %convert_element_type3A_307 : vector<8x4096xbf16> to vector<1x8x4096xbf16>
        tpu.vector_store %arg5[%swap3A_308, %swap3A_309, %swap3A_310], %swap3A_313 {strides = array<i32>} : memref<11x8x98304xbf16, #tpu.memory_space<vmem>>, vector<1x8x4096xbf16>,
        %get3A_314 = arith.constant 0 : index
        %get3A_315 = arith.constant 86016 : index
        %get3A_316 = vector.load %arg3[%get3A_314, %get3A_315] : memref<8x98304xf32, #tpu.memory_space<vmem>>, vector<8x4096xf32>
        %mul3A_317 = vector.broadcast %cond3A : f32 to vector<8x4096xf32>
        %mul3A_318 = arith.mulf %get3A_316, %mul3A_317 : vector<8x4096xf32>
        %exp23A_319 = math.exp2 %mul3A_318 : vector<8x4096xf32>
        %add3A_320 = arith.addf %add3A_306, %exp23A_319 : vector<8x4096xf32>
        %convert_element_type3A_321 = arith.truncf %get3A_316 : vector<8x4096xf32> to vector<8x4096xbf16>
        %swap3A_322 = arith.index_cast %arg2 : i32 to index
        %swap3A_323 = arith.constant 0 : index
        %swap3A_324 = arith.constant 86016 : index
        %swap3A_325 = vector.load %arg5[%swap3A_322, %swap3A_323, %swap3A_324] : memref<11x8x98304xbf16, #tpu.memory_space<vmem>>, vector<1x8x4096xbf16>
        %swap3A_326 = vector.shape_cast %swap3A_325 : vector<1x8x4096xbf16> to vector<8x4096xbf16>
        %swap3A_327 = vector.shape_cast %convert_element_type3A_321 : vector<8x4096xbf16> to vector<1x8x4096xbf16>
        tpu.vector_store %arg5[%swap3A_322, %swap3A_323, %swap3A_324], %swap3A_327 {strides = array<i32>} : memref<11x8x98304xbf16, #tpu.memory_space<vmem>>, vector<1x8x4096xbf16>,
        %get3A_328 = arith.constant 0 : index
        %get3A_329 = arith.constant 90112 : index
        %get3A_330 = vector.load %arg3[%get3A_328, %get3A_329] : memref<8x98304xf32, #tpu.memory_space<vmem>>, vector<8x4096xf32>
        %mul3A_331 = vector.broadcast %cond3A : f32 to vector<8x4096xf32>
        %mul3A_332 = arith.mulf %get3A_330, %mul3A_331 : vector<8x4096xf32>
        %exp23A_333 = math.exp2 %mul3A_332 : vector<8x4096xf32>
        %add3A_334 = arith.addf %add3A_320, %exp23A_333 : vector<8x4096xf32>
        %convert_element_type3A_335 = arith.truncf %get3A_330 : vector<8x4096xf32> to vector<8x4096xbf16>
        %swap3A_336 = arith.index_cast %arg2 : i32 to index
        %swap3A_337 = arith.constant 0 : index
        %swap3A_338 = arith.constant 90112 : index
        %swap3A_339 = vector.load %arg5[%swap3A_336, %swap3A_337, %swap3A_338] : memref<11x8x98304xbf16, #tpu.memory_space<vmem>>, vector<1x8x4096xbf16>
        %swap3A_340 = vector.shape_cast %swap3A_339 : vector<1x8x4096xbf16> to vector<8x4096xbf16>
        %swap3A_341 = vector.shape_cast %convert_element_type3A_335 : vector<8x4096xbf16> to vector<1x8x4096xbf16>
        tpu.vector_store %arg5[%swap3A_336, %swap3A_337, %swap3A_338], %swap3A_341 {strides = array<i32>} : memref<11x8x98304xbf16, #tpu.memory_space<vmem>>, vector<1x8x4096xbf16>,
        %get3A_342 = arith.constant 0 : index
        %get3A_343 = arith.constant 94208 : index
        %get3A_344 = vector.load %arg3[%get3A_342, %get3A_343] : memref<8x98304xf32, #tpu.memory_space<vmem>>, vector<8x4096xf32>
        %mul3A_345 = vector.broadcast %cond3A : f32 to vector<8x4096xf32>
        %mul3A_346 = arith.mulf %get3A_344, %mul3A_345 : vector<8x4096xf32>
        %exp23A_347 = math.exp2 %mul3A_346 : vector<8x4096xf32>
        %add3A_348 = arith.addf %add3A_334, %exp23A_347 : vector<8x4096xf32>
        %convert_element_type3A_349 = arith.truncf %get3A_344 : vector<8x4096xf32> to vector<8x4096xbf16>
        %swap3A_350 = arith.index_cast %arg2 : i32 to index
        %swap3A_351 = arith.constant 0 : index
        %swap3A_352 = arith.constant 94208 : index
        %swap3A_353 = vector.load %arg5[%swap3A_350, %swap3A_351, %swap3A_352] : memref<11x8x98304xbf16, #tpu.memory_space<vmem>>, vector<1x8x4096xbf16>
        %swap3A_354 = vector.shape_cast %swap3A_353 : vector<1x8x4096xbf16> to vector<8x4096xbf16>
        %swap3A_355 = vector.shape_cast %convert_element_type3A_349 : vector<8x4096xbf16> to vector<1x8x4096xbf16>
        tpu.vector_store %arg5[%swap3A_350, %swap3A_351, %swap3A_352], %swap3A_355 {strides = array<i32>} : memref<11x8x98304xbf16, #tpu.memory_space<vmem>>, vector<1x8x4096xbf16>,
        %swap3A_356 = arith.constant 0 : index
        %swap3A_357 = arith.constant 0 : index
        %swap3A_358 = vector.load %arg6[%swap3A_356, %swap3A_357] : memref<8x4096xf32, #tpu.memory_space<vmem>>, vector<8x4096xf32>
        tpu.vector_store %arg6[%swap3A_356, %swap3A_357], %add3A_348 {strides = array<i32>} : memref<8x4096xf32, #tpu.memory_space<vmem>>, vector<8x4096xf32>,
      } else {
      }
      %eq3A_17 = arith.constant 10 : i32
      %eq3A_18 = arith.cmpi eq, %arg2, %eq3A_17 : i32
      %convert_element_type3A_19 = arith.extui %eq3A_18 : i1 to i32
      %cond3A_20 = arith.constant 0 : i32
      %cond3A_21 = arith.cmpi ne, %convert_element_type3A_19, %cond3A_20 : i32
      scf.if %cond3A_21 {
        %get3A = arith.constant 0 : index
        %get3A_22 = arith.constant 0 : index
        %get3A_23 = vector.load %arg6[%get3A, %get3A_22] : memref<8x4096xf32, #tpu.memory_space<vmem>>, vector<8x4096xf32>
        %get3A_24 = arith.constant 0 : index
        %get3A_25 = arith.constant 0 : index
        %get3A_26 = vector.load %arg3[%get3A_24, %get3A_25] : memref<8x98304xf32, #tpu.memory_space<vmem>>, vector<8x4096xf32>
        %mul3A = vector.broadcast %cond3A : f32 to vector<8x4096xf32>
        %mul3A_27 = arith.mulf %get3A_26, %mul3A : vector<8x4096xf32>
        %exp23A = math.exp2 %mul3A_27 : vector<8x4096xf32>
        %add3A = arith.addf %get3A_23, %exp23A : vector<8x4096xf32>
        %convert_element_type3A_28 = arith.truncf %get3A_26 : vector<8x4096xf32> to vector<8x4096xbf16>
        %swap3A = arith.index_cast %arg2 : i32 to index
        %swap3A_29 = arith.constant 0 : index
        %swap3A_30 = arith.constant 0 : index
        %swap3A_31 = vector.load %arg5[%swap3A, %swap3A_29, %swap3A_30] : memref<11x8x98304xbf16, #tpu.memory_space<vmem>>, vector<1x8x4096xbf16>
        %swap3A_32 = vector.shape_cast %swap3A_31 : vector<1x8x4096xbf16> to vector<8x4096xbf16>
        %swap3A_33 = vector.shape_cast %convert_element_type3A_28 : vector<8x4096xbf16> to vector<1x8x4096xbf16>
        tpu.vector_store %arg5[%swap3A, %swap3A_29, %swap3A_30], %swap3A_33 {strides = array<i32>} : memref<11x8x98304xbf16, #tpu.memory_space<vmem>>, vector<1x8x4096xbf16>,
        %get3A_34 = arith.constant 0 : index
        %get3A_35 = arith.constant 4096 : index
        %get3A_36 = vector.load %arg3[%get3A_34, %get3A_35] : memref<8x98304xf32, #tpu.memory_space<vmem>>, vector<8x4096xf32>
        %mul3A_37 = vector.broadcast %cond3A : f32 to vector<8x4096xf32>
        %mul3A_38 = arith.mulf %get3A_36, %mul3A_37 : vector<8x4096xf32>
        %exp23A_39 = math.exp2 %mul3A_38 : vector<8x4096xf32>
        %add3A_40 = arith.addf %add3A, %exp23A_39 : vector<8x4096xf32>
        %convert_element_type3A_41 = arith.truncf %get3A_36 : vector<8x4096xf32> to vector<8x4096xbf16>
        %swap3A_42 = arith.index_cast %arg2 : i32 to index
        %swap3A_43 = arith.constant 0 : index
        %swap3A_44 = arith.constant 4096 : index
        %swap3A_45 = vector.load %arg5[%swap3A_42, %swap3A_43, %swap3A_44] : memref<11x8x98304xbf16, #tpu.memory_space<vmem>>, vector<1x8x4096xbf16>
        %swap3A_46 = vector.shape_cast %swap3A_45 : vector<1x8x4096xbf16> to vector<8x4096xbf16>
        %swap3A_47 = vector.shape_cast %convert_element_type3A_41 : vector<8x4096xbf16> to vector<1x8x4096xbf16>
        tpu.vector_store %arg5[%swap3A_42, %swap3A_43, %swap3A_44], %swap3A_47 {strides = array<i32>} : memref<11x8x98304xbf16, #tpu.memory_space<vmem>>, vector<1x8x4096xbf16>,
        %get3A_48 = arith.constant 0 : index
        %get3A_49 = arith.constant 8192 : index
        %get3A_50 = vector.load %arg3[%get3A_48, %get3A_49] : memref<8x98304xf32, #tpu.memory_space<vmem>>, vector<8x4096xf32>
        %mul3A_51 = vector.broadcast %cond3A : f32 to vector<8x4096xf32>
        %mul3A_52 = arith.mulf %get3A_50, %mul3A_51 : vector<8x4096xf32>
        %exp23A_53 = math.exp2 %mul3A_52 : vector<8x4096xf32>
        %add3A_54 = arith.addf %add3A_40, %exp23A_53 : vector<8x4096xf32>
        %convert_element_type3A_55 = arith.truncf %get3A_50 : vector<8x4096xf32> to vector<8x4096xbf16>
        %swap3A_56 = arith.index_cast %arg2 : i32 to index
        %swap3A_57 = arith.constant 0 : index
        %swap3A_58 = arith.constant 8192 : index
        %swap3A_59 = vector.load %arg5[%swap3A_56, %swap3A_57, %swap3A_58] : memref<11x8x98304xbf16, #tpu.memory_space<vmem>>, vector<1x8x4096xbf16>
        %swap3A_60 = vector.shape_cast %swap3A_59 : vector<1x8x4096xbf16> to vector<8x4096xbf16>
        %swap3A_61 = vector.shape_cast %convert_element_type3A_55 : vector<8x4096xbf16> to vector<1x8x4096xbf16>
        tpu.vector_store %arg5[%swap3A_56, %swap3A_57, %swap3A_58], %swap3A_61 {strides = array<i32>} : memref<11x8x98304xbf16, #tpu.memory_space<vmem>>, vector<1x8x4096xbf16>,
        %get3A_62 = arith.constant 0 : index
        %get3A_63 = arith.constant 12288 : index
        %get3A_64 = vector.load %arg3[%get3A_62, %get3A_63] : memref<8x98304xf32, #tpu.memory_space<vmem>>, vector<8x4096xf32>
        %mul3A_65 = vector.broadcast %cond3A : f32 to vector<8x4096xf32>
        %mul3A_66 = arith.mulf %get3A_64, %mul3A_65 : vector<8x4096xf32>
        %exp23A_67 = math.exp2 %mul3A_66 : vector<8x4096xf32>
        %add3A_68 = arith.addf %add3A_54, %exp23A_67 : vector<8x4096xf32>
        %convert_element_type3A_69 = arith.truncf %get3A_64 : vector<8x4096xf32> to vector<8x4096xbf16>
        %swap3A_70 = arith.index_cast %arg2 : i32 to index
        %swap3A_71 = arith.constant 0 : index
        %swap3A_72 = arith.constant 12288 : index
        %swap3A_73 = vector.load %arg5[%swap3A_70, %swap3A_71, %swap3A_72] : memref<11x8x98304xbf16, #tpu.memory_space<vmem>>, vector<1x8x4096xbf16>
        %swap3A_74 = vector.shape_cast %swap3A_73 : vector<1x8x4096xbf16> to vector<8x4096xbf16>
        %swap3A_75 = vector.shape_cast %convert_element_type3A_69 : vector<8x4096xbf16> to vector<1x8x4096xbf16>
        tpu.vector_store %arg5[%swap3A_70, %swap3A_71, %swap3A_72], %swap3A_75 {strides = array<i32>} : memref<11x8x98304xbf16, #tpu.memory_space<vmem>>, vector<1x8x4096xbf16>,
        %get3A_76 = arith.constant 0 : index
        %get3A_77 = arith.constant 16384 : index
        %get3A_78 = vector.load %arg3[%get3A_76, %get3A_77] : memref<8x98304xf32, #tpu.memory_space<vmem>>, vector<8x4096xf32>
        %mul3A_79 = vector.broadcast %cond3A : f32 to vector<8x4096xf32>
        %mul3A_80 = arith.mulf %get3A_78, %mul3A_79 : vector<8x4096xf32>
        %exp23A_81 = math.exp2 %mul3A_80 : vector<8x4096xf32>
        %iota3A = tpu.iota {dimensions = array<i32: 1>} : vector<8x4096xi32>
        %add3A_82 = arith.constant 16384 : i32
        %add3A_83 = vector.broadcast %add3A_82 : i32 to vector<8x4096xi32>
        %add3A_84 = arith.addi %iota3A, %add3A_83 : vector<8x4096xi32>
        %lt3A_85 = arith.constant 16960 : i32
        %lt3A_86 = vector.broadcast %lt3A_85 : i32 to vector<8x4096xi32>
        %lt3A_87 = arith.cmpi slt, %add3A_84, %lt3A_86 : vector<8x4096xi32>
        %jit3A = arith.constant 0.000000e+00 : f32
        %broadcast_in_dim3A = vector.broadcast %jit3A : f32 to vector<8x4096xf32>
        %select_n3A = arith.select %lt3A_87, %exp23A_81, %broadcast_in_dim3A : vector<8x4096xi1>, vector<8x4096xf32>
        %add3A_88 = arith.addf %add3A_68, %select_n3A : vector<8x4096xf32>
        %convert_element_type3A_89 = arith.truncf %get3A_78 : vector<8x4096xf32> to vector<8x4096xbf16>
        %swap3A_90 = arith.index_cast %arg2 : i32 to index
        %swap3A_91 = arith.constant 0 : index
        %swap3A_92 = arith.constant 16384 : index
        %swap3A_93 = vector.load %arg5[%swap3A_90, %swap3A_91, %swap3A_92] : memref<11x8x98304xbf16, #tpu.memory_space<vmem>>, vector<1x8x4096xbf16>
        %swap3A_94 = vector.shape_cast %swap3A_93 : vector<1x8x4096xbf16> to vector<8x4096xbf16>
        %swap3A_95 = vector.shape_cast %convert_element_type3A_89 : vector<8x4096xbf16> to vector<1x8x4096xbf16>
        tpu.vector_store %arg5[%swap3A_90, %swap3A_91, %swap3A_92], %swap3A_95 {strides = array<i32>} : memref<11x8x98304xbf16, #tpu.memory_space<vmem>>, vector<1x8x4096xbf16>,
        %swap3A_96 = arith.constant 0 : index
        %swap3A_97 = arith.constant 0 : index
        %swap3A_98 = vector.load %arg6[%swap3A_96, %swap3A_97] : memref<8x4096xf32, #tpu.memory_space<vmem>>, vector<8x4096xf32>
        tpu.vector_store %arg6[%swap3A_96, %swap3A_97], %add3A_88 {strides = array<i32>} : memref<8x4096xf32, #tpu.memory_space<vmem>>, vector<8x4096xf32>,
        %reduce_sum3A = arith.constant dense<0.000000e+00> : vector<8xf32>
        %reduce_sum3A_99 = vector.multi_reduction <add>, %add3A_88, %reduce_sum3A [1] : vector<8x4096xf32> to vector<8xf32>
        %broadcast_in_dim3A_100 = vector.shape_cast %reduce_sum3A_99 : vector<8xf32> to vector<8x1xf32>
        %swap3A_101 = arith.constant 0 : index
        %swap3A_102 = arith.constant 0 : index
        %swap3A_103 = vector.load %arg7[%swap3A_101, %swap3A_102] : memref<8x1xf32, #tpu.memory_space<vmem>>, vector<8x1xf32>
        tpu.vector_store %arg7[%swap3A_101, %swap3A_102], %broadcast_in_dim3A_100 {strides = array<i32>} : memref<8x1xf32, #tpu.memory_space<vmem>>, vector<8x1xf32>,
      } else {
      }
    } else {
    }
    %eq3A_3 = arith.constant 1 : i32
    %eq3A_4 = arith.cmpi eq, %arg1, %eq3A_3 : i32
    %convert_element_type3A_5 = arith.extui %eq3A_4 : i1 to i32
    %cond3A_6 = arith.constant 0 : i32
    %cond3A_7 = arith.cmpi ne, %convert_element_type3A_5, %cond3A_6 : i32
    scf.if %cond3A_7 {
      %get3A = arith.constant 0 : index
      %get3A_8 = arith.constant 0 : index
      %get3A_9 = vector.load %arg7[%get3A, %get3A_8] : memref<8x1xf32, #tpu.memory_space<vmem>>, vector<8x1xf32>
      %log3A = math.log %get3A_9 : vector<8x1xf32>
      %log3A_10 = arith.constant 2.000000e+00 : f32
      %log3A_11 = math.log %log3A_10 : f32
      %div3A = vector.broadcast %log3A_11 : f32 to vector<8x1xf32>
      %div3A_12 = arith.divf %log3A, %div3A : vector<8x1xf32>
      %mul3A = arith.constant 0.693147182 : f32
      %mul3A_13 = vector.broadcast %mul3A : f32 to vector<8x1xf32>
      %mul3A_14 = arith.mulf %div3A_12, %mul3A_13 : vector<8x1xf32>
      %get3A_15 = arith.index_cast %arg2 : i32 to index
      %get3A_16 = arith.constant 0 : index
      %get3A_17 = arith.constant 0 : index
      %get3A_18 = vector.load %arg5[%get3A_15, %get3A_16, %get3A_17] : memref<11x8x98304xbf16, #tpu.memory_space<vmem>>, vector<1x8x4096xbf16>
      %get3A_19 = vector.shape_cast %get3A_18 : vector<1x8x4096xbf16> to vector<8x4096xbf16>
      %convert_element_type3A_20 = arith.extf %get3A_19 : vector<8x4096xbf16> to vector<8x4096xf32>
      %mul3A_21 = arith.constant 1.66666663 : f32
      %mul3A_22 = vector.broadcast %mul3A_21 : f32 to vector<8x4096xf32>
      %mul3A_23 = arith.mulf %convert_element_type3A_20, %mul3A_22 : vector<8x4096xf32>
      %sub3A = vector.broadcast %mul3A_14 : vector<8x1xf32> to vector<8x4096xf32>
      %sub3A_24 = arith.subf %mul3A_23, %sub3A : vector<8x4096xf32>
      %swap3A = arith.constant 0 : index
      %swap3A_25 = arith.constant 0 : index
      %swap3A_26 = vector.load %arg4[%swap3A, %swap3A_25] : memref<8x98304xf32, #tpu.memory_space<vmem>>, vector<8x4096xf32>
      tpu.vector_store %arg4[%swap3A, %swap3A_25], %sub3A_24 {strides = array<i32>} : memref<8x98304xf32, #tpu.memory_space<vmem>>, vector<8x4096xf32>,
      %get3A_27 = arith.index_cast %arg2 : i32 to index
      %get3A_28 = arith.constant 0 : index
      %get3A_29 = arith.constant 4096 : index
      %get3A_30 = vector.load %arg5[%get3A_27, %get3A_28, %get3A_29] : memref<11x8x98304xbf16, #tpu.memory_space<vmem>>, vector<1x8x4096xbf16>
      %get3A_31 = vector.shape_cast %get3A_30 : vector<1x8x4096xbf16> to vector<8x4096xbf16>
      %convert_element_type3A_32 = arith.extf %get3A_31 : vector<8x4096xbf16> to vector<8x4096xf32>
      %mul3A_33 = arith.constant 1.66666663 : f32
      %mul3A_34 = vector.broadcast %mul3A_33 : f32 to vector<8x4096xf32>
      %mul3A_35 = arith.mulf %convert_element_type3A_32, %mul3A_34 : vector<8x4096xf32>
      %sub3A_36 = vector.broadcast %mul3A_14 : vector<8x1xf32> to vector<8x4096xf32>
      %sub3A_37 = arith.subf %mul3A_35, %sub3A_36 : vector<8x4096xf32>
      %swap3A_38 = arith.constant 0 : index
      %swap3A_39 = arith.constant 4096 : index
      %swap3A_40 = vector.load %arg4[%swap3A_38, %swap3A_39] : memref<8x98304xf32, #tpu.memory_space<vmem>>, vector<8x4096xf32>
      tpu.vector_store %arg4[%swap3A_38, %swap3A_39], %sub3A_37 {strides = array<i32>} : memref<8x98304xf32, #tpu.memory_space<vmem>>, vector<8x4096xf32>,
      %get3A_41 = arith.index_cast %arg2 : i32 to index
      %get3A_42 = arith.constant 0 : index
      %get3A_43 = arith.constant 8192 : index
      %get3A_44 = vector.load %arg5[%get3A_41, %get3A_42, %get3A_43] : memref<11x8x98304xbf16, #tpu.memory_space<vmem>>, vector<1x8x4096xbf16>
      %get3A_45 = vector.shape_cast %get3A_44 : vector<1x8x4096xbf16> to vector<8x4096xbf16>
      %convert_element_type3A_46 = arith.extf %get3A_45 : vector<8x4096xbf16> to vector<8x4096xf32>
      %mul3A_47 = arith.constant 1.66666663 : f32
      %mul3A_48 = vector.broadcast %mul3A_47 : f32 to vector<8x4096xf32>
      %mul3A_49 = arith.mulf %convert_element_type3A_46, %mul3A_48 : vector<8x4096xf32>
      %sub3A_50 = vector.broadcast %mul3A_14 : vector<8x1xf32> to vector<8x4096xf32>
      %sub3A_51 = arith.subf %mul3A_49, %sub3A_50 : vector<8x4096xf32>
      %swap3A_52 = arith.constant 0 : index
      %swap3A_53 = arith.constant 8192 : index
      %swap3A_54 = vector.load %arg4[%swap3A_52, %swap3A_53] : memref<8x98304xf32, #tpu.memory_space<vmem>>, vector<8x4096xf32>
      tpu.vector_store %arg4[%swap3A_52, %swap3A_53], %sub3A_51 {strides = array<i32>} : memref<8x98304xf32, #tpu.memory_space<vmem>>, vector<8x4096xf32>,
      %get3A_55 = arith.index_cast %arg2 : i32 to index
      %get3A_56 = arith.constant 0 : index
      %get3A_57 = arith.constant 12288 : index
      %get3A_58 = vector.load %arg5[%get3A_55, %get3A_56, %get3A_57] : memref<11x8x98304xbf16, #tpu.memory_space<vmem>>, vector<1x8x4096xbf16>
      %get3A_59 = vector.shape_cast %get3A_58 : vector<1x8x4096xbf16> to vector<8x4096xbf16>
      %convert_element_type3A_60 = arith.extf %get3A_59 : vector<8x4096xbf16> to vector<8x4096xf32>
      %mul3A_61 = arith.constant 1.66666663 : f32
      %mul3A_62 = vector.broadcast %mul3A_61 : f32 to vector<8x4096xf32>
      %mul3A_63 = arith.mulf %convert_element_type3A_60, %mul3A_62 : vector<8x4096xf32>
      %sub3A_64 = vector.broadcast %mul3A_14 : vector<8x1xf32> to vector<8x4096xf32>
      %sub3A_65 = arith.subf %mul3A_63, %sub3A_64 : vector<8x4096xf32>
      %swap3A_66 = arith.constant 0 : index
      %swap3A_67 = arith.constant 12288 : index
      %swap3A_68 = vector.load %arg4[%swap3A_66, %swap3A_67] : memref<8x98304xf32, #tpu.memory_space<vmem>>, vector<8x4096xf32>
      tpu.vector_store %arg4[%swap3A_66, %swap3A_67], %sub3A_65 {strides = array<i32>} : memref<8x98304xf32, #tpu.memory_space<vmem>>, vector<8x4096xf32>,
      %get3A_69 = arith.index_cast %arg2 : i32 to index
      %get3A_70 = arith.constant 0 : index
      %get3A_71 = arith.constant 16384 : index
      %get3A_72 = vector.load %arg5[%get3A_69, %get3A_70, %get3A_71] : memref<11x8x98304xbf16, #tpu.memory_space<vmem>>, vector<1x8x4096xbf16>
      %get3A_73 = vector.shape_cast %get3A_72 : vector<1x8x4096xbf16> to vector<8x4096xbf16>
      %convert_element_type3A_74 = arith.extf %get3A_73 : vector<8x4096xbf16> to vector<8x4096xf32>
      %mul3A_75 = arith.constant 1.66666663 : f32
      %mul3A_76 = vector.broadcast %mul3A_75 : f32 to vector<8x4096xf32>
      %mul3A_77 = arith.mulf %convert_element_type3A_74, %mul3A_76 : vector<8x4096xf32>
      %sub3A_78 = vector.broadcast %mul3A_14 : vector<8x1xf32> to vector<8x4096xf32>
      %sub3A_79 = arith.subf %mul3A_77, %sub3A_78 : vector<8x4096xf32>
      %swap3A_80 = arith.constant 0 : index
      %swap3A_81 = arith.constant 16384 : index
      %swap3A_82 = vector.load %arg4[%swap3A_80, %swap3A_81] : memref<8x98304xf32, #tpu.memory_space<vmem>>, vector<8x4096xf32>
      tpu.vector_store %arg4[%swap3A_80, %swap3A_81], %sub3A_79 {strides = array<i32>} : memref<8x98304xf32, #tpu.memory_space<vmem>>, vector<8x4096xf32>,
      %get3A_83 = arith.index_cast %arg2 : i32 to index
      %get3A_84 = arith.constant 0 : index
      %get3A_85 = arith.constant 20480 : index
      %get3A_86 = vector.load %arg5[%get3A_83, %get3A_84, %get3A_85] : memref<11x8x98304xbf16, #tpu.memory_space<vmem>>, vector<1x8x4096xbf16>
      %get3A_87 = vector.shape_cast %get3A_86 : vector<1x8x4096xbf16> to vector<8x4096xbf16>
      %convert_element_type3A_88 = arith.extf %get3A_87 : vector<8x4096xbf16> to vector<8x4096xf32>
      %mul3A_89 = arith.constant 1.66666663 : f32
      %mul3A_90 = vector.broadcast %mul3A_89 : f32 to vector<8x4096xf32>
      %mul3A_91 = arith.mulf %convert_element_type3A_88, %mul3A_90 : vector<8x4096xf32>
      %sub3A_92 = vector.broadcast %mul3A_14 : vector<8x1xf32> to vector<8x4096xf32>
      %sub3A_93 = arith.subf %mul3A_91, %sub3A_92 : vector<8x4096xf32>
      %swap3A_94 = arith.constant 0 : index
      %swap3A_95 = arith.constant 20480 : index
      %swap3A_96 = vector.load %arg4[%swap3A_94, %swap3A_95] : memref<8x98304xf32, #tpu.memory_space<vmem>>, vector<8x4096xf32>
      tpu.vector_store %arg4[%swap3A_94, %swap3A_95], %sub3A_93 {strides = array<i32>} : memref<8x98304xf32, #tpu.memory_space<vmem>>, vector<8x4096xf32>,
      %get3A_97 = arith.index_cast %arg2 : i32 to index
      %get3A_98 = arith.constant 0 : index
      %get3A_99 = arith.constant 24576 : index
      %get3A_100 = vector.load %arg5[%get3A_97, %get3A_98, %get3A_99] : memref<11x8x98304xbf16, #tpu.memory_space<vmem>>, vector<1x8x4096xbf16>
      %get3A_101 = vector.shape_cast %get3A_100 : vector<1x8x4096xbf16> to vector<8x4096xbf16>
      %convert_element_type3A_102 = arith.extf %get3A_101 : vector<8x4096xbf16> to vector<8x4096xf32>
      %mul3A_103 = arith.constant 1.66666663 : f32
      %mul3A_104 = vector.broadcast %mul3A_103 : f32 to vector<8x4096xf32>
      %mul3A_105 = arith.mulf %convert_element_type3A_102, %mul3A_104 : vector<8x4096xf32>
      %sub3A_106 = vector.broadcast %mul3A_14 : vector<8x1xf32> to vector<8x4096xf32>
      %sub3A_107 = arith.subf %mul3A_105, %sub3A_106 : vector<8x4096xf32>
      %swap3A_108 = arith.constant 0 : index
      %swap3A_109 = arith.constant 24576 : index
      %swap3A_110 = vector.load %arg4[%swap3A_108, %swap3A_109] : memref<8x98304xf32, #tpu.memory_space<vmem>>, vector<8x4096xf32>
      tpu.vector_store %arg4[%swap3A_108, %swap3A_109], %sub3A_107 {strides = array<i32>} : memref<8x98304xf32, #tpu.memory_space<vmem>>, vector<8x4096xf32>,
      %get3A_111 = arith.index_cast %arg2 : i32 to index
      %get3A_112 = arith.constant 0 : index
      %get3A_113 = arith.constant 28672 : index
      %get3A_114 = vector.load %arg5[%get3A_111, %get3A_112, %get3A_113] : memref<11x8x98304xbf16, #tpu.memory_space<vmem>>, vector<1x8x4096xbf16>
      %get3A_115 = vector.shape_cast %get3A_114 : vector<1x8x4096xbf16> to vector<8x4096xbf16>
      %convert_element_type3A_116 = arith.extf %get3A_115 : vector<8x4096xbf16> to vector<8x4096xf32>
      %mul3A_117 = arith.constant 1.66666663 : f32
      %mul3A_118 = vector.broadcast %mul3A_117 : f32 to vector<8x4096xf32>
      %mul3A_119 = arith.mulf %convert_element_type3A_116, %mul3A_118 : vector<8x4096xf32>
      %sub3A_120 = vector.broadcast %mul3A_14 : vector<8x1xf32> to vector<8x4096xf32>
      %sub3A_121 = arith.subf %mul3A_119, %sub3A_120 : vector<8x4096xf32>
      %swap3A_122 = arith.constant 0 : index
      %swap3A_123 = arith.constant 28672 : index
      %swap3A_124 = vector.load %arg4[%swap3A_122, %swap3A_123] : memref<8x98304xf32, #tpu.memory_space<vmem>>, vector<8x4096xf32>
      tpu.vector_store %arg4[%swap3A_122, %swap3A_123], %sub3A_121 {strides = array<i32>} : memref<8x98304xf32, #tpu.memory_space<vmem>>, vector<8x4096xf32>,
      %get3A_125 = arith.index_cast %arg2 : i32 to index
      %get3A_126 = arith.constant 0 : index
      %get3A_127 = arith.constant 32768 : index
      %get3A_128 = vector.load %arg5[%get3A_125, %get3A_126, %get3A_127] : memref<11x8x98304xbf16, #tpu.memory_space<vmem>>, vector<1x8x4096xbf16>
      %get3A_129 = vector.shape_cast %get3A_128 : vector<1x8x4096xbf16> to vector<8x4096xbf16>
      %convert_element_type3A_130 = arith.extf %get3A_129 : vector<8x4096xbf16> to vector<8x4096xf32>
      %mul3A_131 = arith.constant 1.66666663 : f32
      %mul3A_132 = vector.broadcast %mul3A_131 : f32 to vector<8x4096xf32>
      %mul3A_133 = arith.mulf %convert_element_type3A_130, %mul3A_132 : vector<8x4096xf32>
      %sub3A_134 = vector.broadcast %mul3A_14 : vector<8x1xf32> to vector<8x4096xf32>
      %sub3A_135 = arith.subf %mul3A_133, %sub3A_134 : vector<8x4096xf32>
      %swap3A_136 = arith.constant 0 : index
      %swap3A_137 = arith.constant 32768 : index
      %swap3A_138 = vector.load %arg4[%swap3A_136, %swap3A_137] : memref<8x98304xf32, #tpu.memory_space<vmem>>, vector<8x4096xf32>
      tpu.vector_store %arg4[%swap3A_136, %swap3A_137], %sub3A_135 {strides = array<i32>} : memref<8x98304xf32, #tpu.memory_space<vmem>>, vector<8x4096xf32>,
      %get3A_139 = arith.index_cast %arg2 : i32 to index
      %get3A_140 = arith.constant 0 : index
      %get3A_141 = arith.constant 36864 : index
      %get3A_142 = vector.load %arg5[%get3A_139, %get3A_140, %get3A_141] : memref<11x8x98304xbf16, #tpu.memory_space<vmem>>, vector<1x8x4096xbf16>
      %get3A_143 = vector.shape_cast %get3A_142 : vector<1x8x4096xbf16> to vector<8x4096xbf16>
      %convert_element_type3A_144 = arith.extf %get3A_143 : vector<8x4096xbf16> to vector<8x4096xf32>
      %mul3A_145 = arith.constant 1.66666663 : f32
      %mul3A_146 = vector.broadcast %mul3A_145 : f32 to vector<8x4096xf32>
      %mul3A_147 = arith.mulf %convert_element_type3A_144, %mul3A_146 : vector<8x4096xf32>
      %sub3A_148 = vector.broadcast %mul3A_14 : vector<8x1xf32> to vector<8x4096xf32>
      %sub3A_149 = arith.subf %mul3A_147, %sub3A_148 : vector<8x4096xf32>
      %swap3A_150 = arith.constant 0 : index
      %swap3A_151 = arith.constant 36864 : index
      %swap3A_152 = vector.load %arg4[%swap3A_150, %swap3A_151] : memref<8x98304xf32, #tpu.memory_space<vmem>>, vector<8x4096xf32>
      tpu.vector_store %arg4[%swap3A_150, %swap3A_151], %sub3A_149 {strides = array<i32>} : memref<8x98304xf32, #tpu.memory_space<vmem>>, vector<8x4096xf32>,
      %get3A_153 = arith.index_cast %arg2 : i32 to index
      %get3A_154 = arith.constant 0 : index
      %get3A_155 = arith.constant 40960 : index
      %get3A_156 = vector.load %arg5[%get3A_153, %get3A_154, %get3A_155] : memref<11x8x98304xbf16, #tpu.memory_space<vmem>>, vector<1x8x4096xbf16>
      %get3A_157 = vector.shape_cast %get3A_156 : vector<1x8x4096xbf16> to vector<8x4096xbf16>
      %convert_element_type3A_158 = arith.extf %get3A_157 : vector<8x4096xbf16> to vector<8x4096xf32>
      %mul3A_159 = arith.constant 1.66666663 : f32
      %mul3A_160 = vector.broadcast %mul3A_159 : f32 to vector<8x4096xf32>
      %mul3A_161 = arith.mulf %convert_element_type3A_158, %mul3A_160 : vector<8x4096xf32>
      %sub3A_162 = vector.broadcast %mul3A_14 : vector<8x1xf32> to vector<8x4096xf32>
      %sub3A_163 = arith.subf %mul3A_161, %sub3A_162 : vector<8x4096xf32>
      %swap3A_164 = arith.constant 0 : index
      %swap3A_165 = arith.constant 40960 : index
      %swap3A_166 = vector.load %arg4[%swap3A_164, %swap3A_165] : memref<8x98304xf32, #tpu.memory_space<vmem>>, vector<8x4096xf32>
      tpu.vector_store %arg4[%swap3A_164, %swap3A_165], %sub3A_163 {strides = array<i32>} : memref<8x98304xf32, #tpu.memory_space<vmem>>, vector<8x4096xf32>,
      %get3A_167 = arith.index_cast %arg2 : i32 to index
      %get3A_168 = arith.constant 0 : index
      %get3A_169 = arith.constant 45056 : index
      %get3A_170 = vector.load %arg5[%get3A_167, %get3A_168, %get3A_169] : memref<11x8x98304xbf16, #tpu.memory_space<vmem>>, vector<1x8x4096xbf16>
      %get3A_171 = vector.shape_cast %get3A_170 : vector<1x8x4096xbf16> to vector<8x4096xbf16>
      %convert_element_type3A_172 = arith.extf %get3A_171 : vector<8x4096xbf16> to vector<8x4096xf32>
      %mul3A_173 = arith.constant 1.66666663 : f32
      %mul3A_174 = vector.broadcast %mul3A_173 : f32 to vector<8x4096xf32>
      %mul3A_175 = arith.mulf %convert_element_type3A_172, %mul3A_174 : vector<8x4096xf32>
      %sub3A_176 = vector.broadcast %mul3A_14 : vector<8x1xf32> to vector<8x4096xf32>
      %sub3A_177 = arith.subf %mul3A_175, %sub3A_176 : vector<8x4096xf32>
      %swap3A_178 = arith.constant 0 : index
      %swap3A_179 = arith.constant 45056 : index
      %swap3A_180 = vector.load %arg4[%swap3A_178, %swap3A_179] : memref<8x98304xf32, #tpu.memory_space<vmem>>, vector<8x4096xf32>
      tpu.vector_store %arg4[%swap3A_178, %swap3A_179], %sub3A_177 {strides = array<i32>} : memref<8x98304xf32, #tpu.memory_space<vmem>>, vector<8x4096xf32>,
      %get3A_181 = arith.index_cast %arg2 : i32 to index
      %get3A_182 = arith.constant 0 : index
      %get3A_183 = arith.constant 49152 : index
      %get3A_184 = vector.load %arg5[%get3A_181, %get3A_182, %get3A_183] : memref<11x8x98304xbf16, #tpu.memory_space<vmem>>, vector<1x8x4096xbf16>
      %get3A_185 = vector.shape_cast %get3A_184 : vector<1x8x4096xbf16> to vector<8x4096xbf16>
      %convert_element_type3A_186 = arith.extf %get3A_185 : vector<8x4096xbf16> to vector<8x4096xf32>
      %mul3A_187 = arith.constant 1.66666663 : f32
      %mul3A_188 = vector.broadcast %mul3A_187 : f32 to vector<8x4096xf32>
      %mul3A_189 = arith.mulf %convert_element_type3A_186, %mul3A_188 : vector<8x4096xf32>
      %sub3A_190 = vector.broadcast %mul3A_14 : vector<8x1xf32> to vector<8x4096xf32>
      %sub3A_191 = arith.subf %mul3A_189, %sub3A_190 : vector<8x4096xf32>
      %swap3A_192 = arith.constant 0 : index
      %swap3A_193 = arith.constant 49152 : index
      %swap3A_194 = vector.load %arg4[%swap3A_192, %swap3A_193] : memref<8x98304xf32, #tpu.memory_space<vmem>>, vector<8x4096xf32>
      tpu.vector_store %arg4[%swap3A_192, %swap3A_193], %sub3A_191 {strides = array<i32>} : memref<8x98304xf32, #tpu.memory_space<vmem>>, vector<8x4096xf32>,
      %get3A_195 = arith.index_cast %arg2 : i32 to index
      %get3A_196 = arith.constant 0 : index
      %get3A_197 = arith.constant 53248 : index
      %get3A_198 = vector.load %arg5[%get3A_195, %get3A_196, %get3A_197] : memref<11x8x98304xbf16, #tpu.memory_space<vmem>>, vector<1x8x4096xbf16>
      %get3A_199 = vector.shape_cast %get3A_198 : vector<1x8x4096xbf16> to vector<8x4096xbf16>
      %convert_element_type3A_200 = arith.extf %get3A_199 : vector<8x4096xbf16> to vector<8x4096xf32>
      %mul3A_201 = arith.constant 1.66666663 : f32
      %mul3A_202 = vector.broadcast %mul3A_201 : f32 to vector<8x4096xf32>
      %mul3A_203 = arith.mulf %convert_element_type3A_200, %mul3A_202 : vector<8x4096xf32>
      %sub3A_204 = vector.broadcast %mul3A_14 : vector<8x1xf32> to vector<8x4096xf32>
      %sub3A_205 = arith.subf %mul3A_203, %sub3A_204 : vector<8x4096xf32>
      %swap3A_206 = arith.constant 0 : index
      %swap3A_207 = arith.constant 53248 : index
      %swap3A_208 = vector.load %arg4[%swap3A_206, %swap3A_207] : memref<8x98304xf32, #tpu.memory_space<vmem>>, vector<8x4096xf32>
      tpu.vector_store %arg4[%swap3A_206, %swap3A_207], %sub3A_205 {strides = array<i32>} : memref<8x98304xf32, #tpu.memory_space<vmem>>, vector<8x4096xf32>,
      %get3A_209 = arith.index_cast %arg2 : i32 to index
      %get3A_210 = arith.constant 0 : index
      %get3A_211 = arith.constant 57344 : index
      %get3A_212 = vector.load %arg5[%get3A_209, %get3A_210, %get3A_211] : memref<11x8x98304xbf16, #tpu.memory_space<vmem>>, vector<1x8x4096xbf16>
      %get3A_213 = vector.shape_cast %get3A_212 : vector<1x8x4096xbf16> to vector<8x4096xbf16>
      %convert_element_type3A_214 = arith.extf %get3A_213 : vector<8x4096xbf16> to vector<8x4096xf32>
      %mul3A_215 = arith.constant 1.66666663 : f32
      %mul3A_216 = vector.broadcast %mul3A_215 : f32 to vector<8x4096xf32>
      %mul3A_217 = arith.mulf %convert_element_type3A_214, %mul3A_216 : vector<8x4096xf32>
      %sub3A_218 = vector.broadcast %mul3A_14 : vector<8x1xf32> to vector<8x4096xf32>
      %sub3A_219 = arith.subf %mul3A_217, %sub3A_218 : vector<8x4096xf32>
      %swap3A_220 = arith.constant 0 : index
      %swap3A_221 = arith.constant 57344 : index
      %swap3A_222 = vector.load %arg4[%swap3A_220, %swap3A_221] : memref<8x98304xf32, #tpu.memory_space<vmem>>, vector<8x4096xf32>
      tpu.vector_store %arg4[%swap3A_220, %swap3A_221], %sub3A_219 {strides = array<i32>} : memref<8x98304xf32, #tpu.memory_space<vmem>>, vector<8x4096xf32>,
      %get3A_223 = arith.index_cast %arg2 : i32 to index
      %get3A_224 = arith.constant 0 : index
      %get3A_225 = arith.constant 61440 : index
      %get3A_226 = vector.load %arg5[%get3A_223, %get3A_224, %get3A_225] : memref<11x8x98304xbf16, #tpu.memory_space<vmem>>, vector<1x8x4096xbf16>
      %get3A_227 = vector.shape_cast %get3A_226 : vector<1x8x4096xbf16> to vector<8x4096xbf16>
      %convert_element_type3A_228 = arith.extf %get3A_227 : vector<8x4096xbf16> to vector<8x4096xf32>
      %mul3A_229 = arith.constant 1.66666663 : f32
      %mul3A_230 = vector.broadcast %mul3A_229 : f32 to vector<8x4096xf32>
      %mul3A_231 = arith.mulf %convert_element_type3A_228, %mul3A_230 : vector<8x4096xf32>
      %sub3A_232 = vector.broadcast %mul3A_14 : vector<8x1xf32> to vector<8x4096xf32>
      %sub3A_233 = arith.subf %mul3A_231, %sub3A_232 : vector<8x4096xf32>
      %swap3A_234 = arith.constant 0 : index
      %swap3A_235 = arith.constant 61440 : index
      %swap3A_236 = vector.load %arg4[%swap3A_234, %swap3A_235] : memref<8x98304xf32, #tpu.memory_space<vmem>>, vector<8x4096xf32>
      tpu.vector_store %arg4[%swap3A_234, %swap3A_235], %sub3A_233 {strides = array<i32>} : memref<8x98304xf32, #tpu.memory_space<vmem>>, vector<8x4096xf32>,
      %get3A_237 = arith.index_cast %arg2 : i32 to index
      %get3A_238 = arith.constant 0 : index
      %get3A_239 = arith.constant 65536 : index
      %get3A_240 = vector.load %arg5[%get3A_237, %get3A_238, %get3A_239] : memref<11x8x98304xbf16, #tpu.memory_space<vmem>>, vector<1x8x4096xbf16>
      %get3A_241 = vector.shape_cast %get3A_240 : vector<1x8x4096xbf16> to vector<8x4096xbf16>
      %convert_element_type3A_242 = arith.extf %get3A_241 : vector<8x4096xbf16> to vector<8x4096xf32>
      %mul3A_243 = arith.constant 1.66666663 : f32
      %mul3A_244 = vector.broadcast %mul3A_243 : f32 to vector<8x4096xf32>
      %mul3A_245 = arith.mulf %convert_element_type3A_242, %mul3A_244 : vector<8x4096xf32>
      %sub3A_246 = vector.broadcast %mul3A_14 : vector<8x1xf32> to vector<8x4096xf32>
      %sub3A_247 = arith.subf %mul3A_245, %sub3A_246 : vector<8x4096xf32>
      %swap3A_248 = arith.constant 0 : index
      %swap3A_249 = arith.constant 65536 : index
      %swap3A_250 = vector.load %arg4[%swap3A_248, %swap3A_249] : memref<8x98304xf32, #tpu.memory_space<vmem>>, vector<8x4096xf32>
      tpu.vector_store %arg4[%swap3A_248, %swap3A_249], %sub3A_247 {strides = array<i32>} : memref<8x98304xf32, #tpu.memory_space<vmem>>, vector<8x4096xf32>,
      %get3A_251 = arith.index_cast %arg2 : i32 to index
      %get3A_252 = arith.constant 0 : index
      %get3A_253 = arith.constant 69632 : index
      %get3A_254 = vector.load %arg5[%get3A_251, %get3A_252, %get3A_253] : memref<11x8x98304xbf16, #tpu.memory_space<vmem>>, vector<1x8x4096xbf16>
      %get3A_255 = vector.shape_cast %get3A_254 : vector<1x8x4096xbf16> to vector<8x4096xbf16>
      %convert_element_type3A_256 = arith.extf %get3A_255 : vector<8x4096xbf16> to vector<8x4096xf32>
      %mul3A_257 = arith.constant 1.66666663 : f32
      %mul3A_258 = vector.broadcast %mul3A_257 : f32 to vector<8x4096xf32>
      %mul3A_259 = arith.mulf %convert_element_type3A_256, %mul3A_258 : vector<8x4096xf32>
      %sub3A_260 = vector.broadcast %mul3A_14 : vector<8x1xf32> to vector<8x4096xf32>
      %sub3A_261 = arith.subf %mul3A_259, %sub3A_260 : vector<8x4096xf32>
      %swap3A_262 = arith.constant 0 : index
      %swap3A_263 = arith.constant 69632 : index
      %swap3A_264 = vector.load %arg4[%swap3A_262, %swap3A_263] : memref<8x98304xf32, #tpu.memory_space<vmem>>, vector<8x4096xf32>
      tpu.vector_store %arg4[%swap3A_262, %swap3A_263], %sub3A_261 {strides = array<i32>} : memref<8x98304xf32, #tpu.memory_space<vmem>>, vector<8x4096xf32>,
      %get3A_265 = arith.index_cast %arg2 : i32 to index
      %get3A_266 = arith.constant 0 : index
      %get3A_267 = arith.constant 73728 : index
      %get3A_268 = vector.load %arg5[%get3A_265, %get3A_266, %get3A_267] : memref<11x8x98304xbf16, #tpu.memory_space<vmem>>, vector<1x8x4096xbf16>
      %get3A_269 = vector.shape_cast %get3A_268 : vector<1x8x4096xbf16> to vector<8x4096xbf16>
      %convert_element_type3A_270 = arith.extf %get3A_269 : vector<8x4096xbf16> to vector<8x4096xf32>
      %mul3A_271 = arith.constant 1.66666663 : f32
      %mul3A_272 = vector.broadcast %mul3A_271 : f32 to vector<8x4096xf32>
      %mul3A_273 = arith.mulf %convert_element_type3A_270, %mul3A_272 : vector<8x4096xf32>
      %sub3A_274 = vector.broadcast %mul3A_14 : vector<8x1xf32> to vector<8x4096xf32>
      %sub3A_275 = arith.subf %mul3A_273, %sub3A_274 : vector<8x4096xf32>
      %swap3A_276 = arith.constant 0 : index
      %swap3A_277 = arith.constant 73728 : index
      %swap3A_278 = vector.load %arg4[%swap3A_276, %swap3A_277] : memref<8x98304xf32, #tpu.memory_space<vmem>>, vector<8x4096xf32>
      tpu.vector_store %arg4[%swap3A_276, %swap3A_277], %sub3A_275 {strides = array<i32>} : memref<8x98304xf32, #tpu.memory_space<vmem>>, vector<8x4096xf32>,
      %get3A_279 = arith.index_cast %arg2 : i32 to index
      %get3A_280 = arith.constant 0 : index
      %get3A_281 = arith.constant 77824 : index
      %get3A_282 = vector.load %arg5[%get3A_279, %get3A_280, %get3A_281] : memref<11x8x98304xbf16, #tpu.memory_space<vmem>>, vector<1x8x4096xbf16>
      %get3A_283 = vector.shape_cast %get3A_282 : vector<1x8x4096xbf16> to vector<8x4096xbf16>
      %convert_element_type3A_284 = arith.extf %get3A_283 : vector<8x4096xbf16> to vector<8x4096xf32>
      %mul3A_285 = arith.constant 1.66666663 : f32
      %mul3A_286 = vector.broadcast %mul3A_285 : f32 to vector<8x4096xf32>
      %mul3A_287 = arith.mulf %convert_element_type3A_284, %mul3A_286 : vector<8x4096xf32>
      %sub3A_288 = vector.broadcast %mul3A_14 : vector<8x1xf32> to vector<8x4096xf32>
      %sub3A_289 = arith.subf %mul3A_287, %sub3A_288 : vector<8x4096xf32>
      %swap3A_290 = arith.constant 0 : index
      %swap3A_291 = arith.constant 77824 : index
      %swap3A_292 = vector.load %arg4[%swap3A_290, %swap3A_291] : memref<8x98304xf32, #tpu.memory_space<vmem>>, vector<8x4096xf32>
      tpu.vector_store %arg4[%swap3A_290, %swap3A_291], %sub3A_289 {strides = array<i32>} : memref<8x98304xf32, #tpu.memory_space<vmem>>, vector<8x4096xf32>,
      %get3A_293 = arith.index_cast %arg2 : i32 to index
      %get3A_294 = arith.constant 0 : index
      %get3A_295 = arith.constant 81920 : index
      %get3A_296 = vector.load %arg5[%get3A_293, %get3A_294, %get3A_295] : memref<11x8x98304xbf16, #tpu.memory_space<vmem>>, vector<1x8x4096xbf16>
      %get3A_297 = vector.shape_cast %get3A_296 : vector<1x8x4096xbf16> to vector<8x4096xbf16>
      %convert_element_type3A_298 = arith.extf %get3A_297 : vector<8x4096xbf16> to vector<8x4096xf32>
      %mul3A_299 = arith.constant 1.66666663 : f32
      %mul3A_300 = vector.broadcast %mul3A_299 : f32 to vector<8x4096xf32>
      %mul3A_301 = arith.mulf %convert_element_type3A_298, %mul3A_300 : vector<8x4096xf32>
      %sub3A_302 = vector.broadcast %mul3A_14 : vector<8x1xf32> to vector<8x4096xf32>
      %sub3A_303 = arith.subf %mul3A_301, %sub3A_302 : vector<8x4096xf32>
      %swap3A_304 = arith.constant 0 : index
      %swap3A_305 = arith.constant 81920 : index
      %swap3A_306 = vector.load %arg4[%swap3A_304, %swap3A_305] : memref<8x98304xf32, #tpu.memory_space<vmem>>, vector<8x4096xf32>
      tpu.vector_store %arg4[%swap3A_304, %swap3A_305], %sub3A_303 {strides = array<i32>} : memref<8x98304xf32, #tpu.memory_space<vmem>>, vector<8x4096xf32>,
      %get3A_307 = arith.index_cast %arg2 : i32 to index
      %get3A_308 = arith.constant 0 : index
      %get3A_309 = arith.constant 86016 : index
      %get3A_310 = vector.load %arg5[%get3A_307, %get3A_308, %get3A_309] : memref<11x8x98304xbf16, #tpu.memory_space<vmem>>, vector<1x8x4096xbf16>
      %get3A_311 = vector.shape_cast %get3A_310 : vector<1x8x4096xbf16> to vector<8x4096xbf16>
      %convert_element_type3A_312 = arith.extf %get3A_311 : vector<8x4096xbf16> to vector<8x4096xf32>
      %mul3A_313 = arith.constant 1.66666663 : f32
      %mul3A_314 = vector.broadcast %mul3A_313 : f32 to vector<8x4096xf32>
      %mul3A_315 = arith.mulf %convert_element_type3A_312, %mul3A_314 : vector<8x4096xf32>
      %sub3A_316 = vector.broadcast %mul3A_14 : vector<8x1xf32> to vector<8x4096xf32>
      %sub3A_317 = arith.subf %mul3A_315, %sub3A_316 : vector<8x4096xf32>
      %swap3A_318 = arith.constant 0 : index
      %swap3A_319 = arith.constant 86016 : index
      %swap3A_320 = vector.load %arg4[%swap3A_318, %swap3A_319] : memref<8x98304xf32, #tpu.memory_space<vmem>>, vector<8x4096xf32>
      tpu.vector_store %arg4[%swap3A_318, %swap3A_319], %sub3A_317 {strides = array<i32>} : memref<8x98304xf32, #tpu.memory_space<vmem>>, vector<8x4096xf32>,
      %get3A_321 = arith.index_cast %arg2 : i32 to index
      %get3A_322 = arith.constant 0 : index
      %get3A_323 = arith.constant 90112 : index
      %get3A_324 = vector.load %arg5[%get3A_321, %get3A_322, %get3A_323] : memref<11x8x98304xbf16, #tpu.memory_space<vmem>>, vector<1x8x4096xbf16>
      %get3A_325 = vector.shape_cast %get3A_324 : vector<1x8x4096xbf16> to vector<8x4096xbf16>
      %convert_element_type3A_326 = arith.extf %get3A_325 : vector<8x4096xbf16> to vector<8x4096xf32>
      %mul3A_327 = arith.constant 1.66666663 : f32
      %mul3A_328 = vector.broadcast %mul3A_327 : f32 to vector<8x4096xf32>
      %mul3A_329 = arith.mulf %convert_element_type3A_326, %mul3A_328 : vector<8x4096xf32>
      %sub3A_330 = vector.broadcast %mul3A_14 : vector<8x1xf32> to vector<8x4096xf32>
      %sub3A_331 = arith.subf %mul3A_329, %sub3A_330 : vector<8x4096xf32>
      %swap3A_332 = arith.constant 0 : index
      %swap3A_333 = arith.constant 90112 : index
      %swap3A_334 = vector.load %arg4[%swap3A_332, %swap3A_333] : memref<8x98304xf32, #tpu.memory_space<vmem>>, vector<8x4096xf32>
      tpu.vector_store %arg4[%swap3A_332, %swap3A_333], %sub3A_331 {strides = array<i32>} : memref<8x98304xf32, #tpu.memory_space<vmem>>, vector<8x4096xf32>,
      %get3A_335 = arith.index_cast %arg2 : i32 to index
      %get3A_336 = arith.constant 0 : index
      %get3A_337 = arith.constant 94208 : index
      %get3A_338 = vector.load %arg5[%get3A_335, %get3A_336, %get3A_337] : memref<11x8x98304xbf16, #tpu.memory_space<vmem>>, vector<1x8x4096xbf16>
      %get3A_339 = vector.shape_cast %get3A_338 : vector<1x8x4096xbf16> to vector<8x4096xbf16>
      %convert_element_type3A_340 = arith.extf %get3A_339 : vector<8x4096xbf16> to vector<8x4096xf32>
      %mul3A_341 = arith.constant 1.66666663 : f32
      %mul3A_342 = vector.broadcast %mul3A_341 : f32 to vector<8x4096xf32>
      %mul3A_343 = arith.mulf %convert_element_type3A_340, %mul3A_342 : vector<8x4096xf32>
      %sub3A_344 = vector.broadcast %mul3A_14 : vector<8x1xf32> to vector<8x4096xf32>
      %sub3A_345 = arith.subf %mul3A_343, %sub3A_344 : vector<8x4096xf32>
      %swap3A_346 = arith.constant 0 : index
      %swap3A_347 = arith.constant 94208 : index
      %swap3A_348 = vector.load %arg4[%swap3A_346, %swap3A_347] : memref<8x98304xf32, #tpu.memory_space<vmem>>, vector<8x4096xf32>
      tpu.vector_store %arg4[%swap3A_346, %swap3A_347], %sub3A_345 {strides = array<i32>} : memref<8x98304xf32, #tpu.memory_space<vmem>>, vector<8x4096xf32>,
    } else {
    }
    return
  }
  func.func @transform_0(%arg0: i32, %arg1: i32, %arg2: i32) -> (i32, i32) {
    %eq3A = arith.constant 0 : i32
    %eq3A_0 = arith.cmpi eq, %arg1, %eq3A : i32
    %jit3A = arith.constant 10 : i32
    %select_n3A = arith.select %eq3A_0, %arg2, %jit3A : i32
    %c0_i32 = arith.constant 0 : i32
    return %arg0, %select_n3A : i32, i32
  }
  func.func @transform_1(%arg0: i32, %arg1: i32, %arg2: i32) -> (i32, i32) {
    %eq3A = arith.constant 0 : i32
    %eq3A_0 = arith.cmpi eq, %arg1, %eq3A : i32
    %jit3A = arith.constant 0 : i32
    %select_n3A = arith.select %eq3A_0, %jit3A, %arg2 : i32
    %c0_i32 = arith.constant 0 : i32
    return %arg0, %select_n3A : i32, i32
  }
}

</mosaic_0001>

<sc_bundles>
// kernel: kernel.4.cloned.1.call-start
scs
__scs_entry_jumppad:
0x0: {  	(pc) =	sbr.rel $0x88, $3  }
0x1: {  	(tag) =	ssettag $0x0;
	lr =	simm.s32 $0x1  }
0x2: {  	[smem:$0x3FA0] =	sst lr;
	_ =	strace $0xD0000000  }
0x3: {  	_ = 	snop  }
0x4: {  	_ = 	snop  }
0x5: {  	_ = 	snop  }
0x6: {  	_ = 	snop  }
0x7: {  	_ = 	snop  }
__scs_overlays_trampoline_lowered:
0x8: {  	[smem:$0x3FAF] =	sst s0  }
0x9: {  	[smem:$0x3FB0] =	sst s1  }
0xa: {  	[smem:$0x3FB1] =	sst s2  }
0xb: {  	[smem:$0x3FB2] =	sst s3  }
0xc: {  	[smem:$0x3FB3] =	sst s4  }
0xd: {  	[smem:$0x3FB4] =	sst s5  }
0xe: {  	[smem:$0x3FB5] =	sst s6  }
0xf: {  	[smem:$0x3FB6] =	sst s7  }
0x10: {  	[smem:$0x3FB7] =	sst s8  }
0x11: {  	[smem:$0x3FB8] =	sst s9;
	s0 =	simm.s32 @!p0 $0x0  }
0x12: {  	s1 =	sld [smem:$0x3F9E];
	s0 =	simm.s32 @p0 $0x1  }
0x13: {  	[smem:$0x3FB9] =	sst s0;
	s0 =	simm.s32 @!p1 $0x0  }
0x14: {  	s2 =	sld [smem:$0x3F9D];
	s0 =	simm.s32 @p1 $0x1  }
0x15: {  	[smem:$0x3FBA] =	sst s0;
	s0 =	simm.s32 @!p2 $0x0  }
0x16: {  	s3 =	sld [smem:$0x3FDB];
	s0 =	simm.s32 @p2 $0x1  }
0x17: {  	s4 =	simm.s32 $0x1BF5;
	[smem:$0x3FBC] =	sst s0  }
0x18: {  	s0 =	sld [smem:$0x3F9F];
	_ =	swait.ge [sflag:s4], $0x0  }
0x19: {  	s7 =	sld [smem:$0x3FA0]  }
0x1a: {  	s8 =	sadd.s32 $0xFFFFE003, lr  }
0x1b: {  	s9 =	sadd.s32 $0xFFFFFEF7, lr;
	s5 =	simm.s32 $0xFFFFFFFF;
	p2 =	slt.u32 s8, $0xFFFFF086  }
0x1c: {  	p1 =	slt.u32 s9, $0xF7A;
	s5 =	simm.s32 @!p2 $0x0  }
0x1d: {  	s5 =	simm.s32 @p1 $0x1;
	p0 =	seq.s32 s7, s2  }
0x1e: {  	s7 =	smul.u32 @!p0 $0xF7A, s2;
	p2 =	seq.s32 @!p0 s5, $0x0  }
0x1f: {  	s9 =	smul.u32 $0xF7A, s1;
	s8 =	simm.s32 @!p0 $0x1BF5;
	p2 =	por !p2, p0  }
0x20: {  	[sflag:s8] =	ssyncset.s32 @!p0 $0xFFFFF086;
	s6 =	sadd.s32 @!p0 s3, s7;
	s7 =	simm.s32 @!p0 $0x108  }
0x21: {  	s3 =	sadd.s32 s3, s9;
	s6 =	sadd.s32 @!p0 $0x88, s6;
	s7 =	simm.s32 @p2 $0x1082  }
0x22: {  	[simem:s7], [sflag:s8] =	dma.local @!p0 [hbm:s6], $0xF7A  }
0x23: {  	s9 =	sor.u32 $0xD0000000, s2;
	s6 =	simm.s32 $0x108;
	_ =	swait.ge @!p0 [sflag:s8], $0x0  }
0x24: {  	s3 =	sadd.s32 $0x88, s3;
	s6 =	simm.s32 @!p1 $0x1082;
	[sflag:s4] =	ssyncset.s32 $0xFFFFF086  }
0x25: {  	[simem:s6], [sflag:s4] =	dma.local [hbm:s3], $0xF7A  }
0x26: {  	[smem:$0x3FA0] =	sst s1;
	(tag) =	ssettag s2;
	_ =	strace s9  }
0x27: {  	s1 =	sld [smem:$0x3FB0]  }
0x28: {  	s2 =	sld [smem:$0x3FB1]  }
0x29: {  	s4 =	sld [smem:$0x3FB3]  }
0x2a: {  	p0 =	seq.s32 s5, $0x0;
	s5 =	sld [smem:$0x3FB4]  }
0x2b: {  	s6 =	sld [smem:$0x3FB5]  }
0x2c: {  	s7 =	sld [smem:$0x3FB6]  }
0x2d: {  	s3 =	simm.s32 $0x108;
	s8 =	sld [smem:$0x3FB7]  }
0x2e: {  	s3 =	simm.s32 @!p0 $0x1082;
	s9 =	sld [smem:$0x3FB8]  }
0x2f: {  	lr =	sadd.s32 s0, s3;
	s0 =	sld [smem:$0x3FAF]  }
0x30: {  	s3 =	sld [smem:$0x3FB2]  }
0x31: {  	[smem:$0x3FBB] =	sst s10  }
0x32: {  	s10 =	sld [smem:$0x3FB9];
	_ =	sdelay $0x3  }
0x33: {  	p0 =	seq.s32 s10, $0x1;
	s10 =	sld [smem:$0x3FBB];
	_ =	sdelay $0x3  }
0x34: {  	[smem:$0x3FBB] =	sst s10  }
0x35: {  	s10 =	sld [smem:$0x3FBA];
	_ =	sdelay $0x3  }
0x36: {  	p1 =	seq.s32 s10, $0x1;
	s10 =	sld [smem:$0x3FBB];
	_ =	sdelay $0x3  }
0x37: {  	[smem:$0x3FBB] =	sst s10  }
0x38: {  	s10 =	sld [smem:$0x3FBC]  }
0x39: {  	_ = 	snop;
	(pc) =	sbr.ind lr, $3  }
0x3a: {  	_ = 	snop  }
0x3b: {  	_ = 	snop  }
0x3c: {  	p2 =	seq.s32 s10, $0x1;
	s10 =	sld [smem:$0x3FBB]  }
0x3d: {  	_ =	shalt  }
0x3e: {  	_ =	shalt  }
0x3f: {  	_ =	shalt  }
0x40: {  	_ =	shalt  }
0x41: {  	_ =	shalt  }
0x42: {  	_ =	shalt  }
0x43: {  	_ =	shalt  }
0x44: {  	_ =	shalt  }
0x45: {  	_ =	shalt  }
0x46: {  	_ =	shalt  }
0x47: {  	_ =	shalt  }
0x48: {  	_ =	shalt  }
0x49: {  	_ =	shalt  }
0x4a: {  	_ =	shalt  }
0x4b: {  	_ =	shalt  }
0x4c: {  	_ =	shalt  }
0x4d: {  	_ =	shalt  }
0x4e: {  	_ =	shalt  }
0x4f: {  	_ =	shalt  }
0x50: {  	_ =	shalt  }
0x51: {  	_ =	shalt  }
0x52: {  	_ =	shalt  }
0x53: {  	_ =	shalt  }
0x54: {  	_ =	shalt  }
0x55: {  	_ =	shalt  }
0x56: {  	_ =	shalt  }
0x57: {  	_ =	shalt  }
0x58: {  	_ =	shalt  }
0x59: {  	_ =	shalt  }
0x5a: {  	_ =	shalt  }
0x5b: {  	_ =	shalt  }
0x5c: {  	_ =	shalt  }
0x5d: {  	_ =	shalt  }
0x5e: {  	_ =	shalt  }
0x5f: {  	_ =	shalt  }
0x60: {  	_ =	shalt  }
0x61: {  	_ =	shalt  }
0x62: {  	_ =	shalt  }
0x63: {  	_ =	shalt  }
0x64: {  	_ =	shalt  }
0x65: {  	_ =	shalt  }
0x66: {  	_ =	shalt  }
0x67: {  	_ =	shalt  }
0x68: {  	_ =	shalt  }
0x69: {  	_ =	shalt  }
0x6a: {  	_ =	shalt  }
0x6b: {  	_ =	shalt  }
0x6c: {  	_ =	shalt  }
0x6d: {  	_ =	shalt  }
0x6e: {  	_ =	shalt  }
0x6f: {  	_ =	shalt  }
0x70: {  	_ =	shalt  }
0x71: {  	_ =	shalt  }
0x72: {  	_ =	shalt  }
0x73: {  	_ =	shalt  }
0x74: {  	_ =	shalt  }
0x75: {  	_ =	shalt  }
0x76: {  	_ =	shalt  }
0x77: {  	_ =	shalt  }
0x78: {  	_ =	shalt  }
0x79: {  	_ =	shalt  }
0x7a: {  	_ =	shalt  }
0x7b: {  	_ =	shalt  }
0x7c: {  	_ =	shalt  }
0x7d: {  	_ =	shalt  }
0x7e: {  	_ =	shalt  }
0x7f: {  	_ =	shalt  }
0x80: {  	_ =	shalt  }
0x81: {  	_ =	shalt  }
0x82: {  	_ =	shalt  }
0x83: {  	_ =	shalt  }
0x84: {  	_ =	shalt  }
0x85: {  	_ =	shalt  }
0x86: {  	_ =	shalt  }
0x87: {  	_ =	shalt  }
.Lfunc_end0:
.L_simem_size_0:
called_computation_lowered:
.L_overlay_start_0:
0x88: {  	s2 =	sld [smem:$0x3FD9]  }
0x89: {  	s3 =	sld [smem:$0x3FFE];
	_ =	sdelay $0x1  }
0x8a: {  	s1 =	srdreg.scid  }
0x8b: {  	s0 =	sand.u32 $0x1, s1  }
0x8c: {  	s17 =	sshll.u32 s0, $0xA;
	s2 =	sadd.s32 s3, s2  }
0x8d: {  	s2 =	sadd.s32 s2, s17  }
0x8e: {  	[smem:$0x3FC7] =	sst s2  }
0x8f: {  	_ = 	snop  }
0x90: {  	s2 =	sld [smem:$0x3FC9];
	(tm) =	ssettm $0x1  }
0x91: {  	s18 =	sld [smem:$0x3FFB];
	_ =	sdelay $0x3  }
0x92: {  	_ =	strace s18  }
0x93: {  	s3 =	sld [smem:$0x3FFC];
	_ =	sdelay $0x3  }
0x94: {  	_ =	strace s3  }
0x95: {  	s3 =	sld [smem:$0x3FFD];
	_ =	sdelay $0x3  }
0x96: {  	_ =	strace s3  }
0x97: {  	_ =	strace $0x8FFFFFFF  }
0x98: {  	s19 =	sld [smem:$0x3FDB];
	_ =	sdelay $0x1  }
0x99: {  	s4 =	simm.s32 $_scs_section_size  }
0x9a: {  	s5 =	simm.s32 $_size__tile_overlayer_lowered;
	s6 =	simm.s32 $_tile_overlayer_lowered  }
0x9b: {  	s22 =	simm.s32 $0x1BFF;
	s21 =	sshll.u32 s6, $0x1;
	s3 =	sadd.s32 s4, s19  }
0x9c: {  	s7 =	simm.s32 $0x0;
	s20 =	sshll.u32 s5, $0x1;
	s5 =	sadd.s32 s21, s3  }
0x9d: {  	[timem:s7], [sflag:s22] =	dma.local [hbm:s5], s20  }
0x9e: {  	_ =	swait.ge [sflag:s22], s20  }
0x9f: {  	s4 =	ssub.s32 $0x0, s20;
	[sflag:s22] =	ssyncset.done $0x0  }
0xa0: {  	[sflag:s22] =	ssyncadd.s32 s4;
	_ =	sdelay $0x1  }
0xa1: {  	s23 =	simm.s32 $0x1B8B  }
0xa2: {  	_ =	swait.ge [sflag:s23], $0x1  }
0xa3: {  	[sflag:s23] =	ssyncset.done $0x0  }
0xa4: {  	s25 =	simm.s32 $0x1B8E;
	s24 =	sld [smem:$0x3FFE];
	[sflag:s23] =	ssyncadd.s32 $0xFFFFFFFF  }
0xa5: {  	s26 =	simm.s32 $execute0_lowered;
	[smem:$0x3FD2] =	sst s25  }
0xa6: {  	s5 =	sshll.u32 s26, $0x1;
	_ =	strace $0x80000046;
	[dreg:$0x1] =	wrdreg $0xFFFFFFFF  }
0xa7: {  	s28 =	simm.s32 $_size_execute0_lowered;
	s3 =	sadd.s32 s3, s5;
	[dreg:$0x0] =	wrdreg $0x0  }
0xa8: {  	s5 =	sshll.u32 s28, $0x1;
	[dreg:$0x2] =	wrdreg s3  }
0xa9: {  	[dreg:$0x3] =	wrdreg s5  }
0xaa: {  	[dreg:$0x4] =	wrdreg $0xC0  }
0xab: {  	_ =	task [dreg:s7], $0x5FFFF  }
0xac: {  	[dreg:$0x1] =	wrdreg $0xFFFFFFFF  }
0xad: {  	[dreg:$0x0] =	wrdreg $0x60  }
0xae: {  	[dreg:$0x2] =	wrdreg s2  }
0xaf: {  	[dreg:$0x3] =	wrdreg s24  }
0xb0: {  	[dreg:$0x4] =	wrdreg $0x9  }
0xb1: {  	_ =	task.clear_ibuf [dreg:s7], $0x5FFFF;
	_ =	strace $0x90000046  }
0xb2: {  	s29 =	simm.s32 $0x9;
	_ =	strace $0x80000048  }
0xb3: {  	_ =	swait.ge [sflag:s29], $0x1  }
0xb4: {  	[sflag:s29] =	ssyncadd.s32 $0xFFFFFFFF  }
0xb5: {  	_ =	strace $0x90000048  }
0xb6: {  	_ =	sfence  }
0xb7: {  	s30 =	sld [smem:$0x0];
	_ =	sdelay $0x2  }
0xb8: {  	s31 =	sshll.u32 s1, $0xD;
	s1 =	sshrl.u32 s1, $0x2  }
0xb9: {  	s3 =	sand.u32 $0x4000, s31;
	s1 =	sadd.s32 s1, s30  }
0xba: {  	s0 =	sor.u32 s3, s0;
	s1 =	sshll.u32 s1, $0x11  }
0xbb: {  	s0 =	sor.u32 s1, s0  }
0xbc: {  	s0 =	sadd.s32 $0x8F2B, s0  }
0xbd: {  	[sflag:s0] =	ssyncadd.remote.s32 $0x1  }
0xbe: {  	_ =	sfence.sel $0xFFFF  }
0xbf: {  	[dreg:$0x0] =	wrdreg $0xFFFFFFFF;
	(pc) =	sbr.abs _section_cstart, $3  }
0xc0: {  	[dreg:$0x1] =	wrdreg $0xFFFFFFFF  }
0xc1: {  	_ =	task.clear_ibuf [dreg:s7], $0x2FFFF;
	_ =	strace $0x9FFFFFFF  }
0xc2: {  	(tm) =	ssettm $0x7FFFFFFF  }
0xc3: {  	_ =	shalt  }
tec
execute0_lowered:
.L_overlay_start_1:
0x0: {  	(tag) =	ssettag $0x1  }
0x1: {  	s7 =	rddreg [dreg:$0x0]  }
0x2: {  	s3 =	rddreg [dreg:$0x1]  }
0x3: {  	s2 =	srdreg.scid;
	s0 =	rddreg [dreg:$0x2];
	s1 =	simm.s32 $0x0  }
0x4: {  	s4 =	sand.u32 $0x1, s2;
	[smem:$0x7FF] =	sst s1;
	s2 =	stileid.u32  }
0x5: {  	s8 =	sadd.s32 $0x400, s3;
	s5 =	ssub.s32 $0x2, s4;
	_ =	strace $0x80000047  }
0x6: {  	s25 =	sshrl.u32 s2, $0x1;
	s26 =	sshll.u32 s2, $0x3;
	s9 =	sshll.u32 s4, $0x2  }
0x7: {  	s10 =	sand.u32 $0x1, s2;
	s4 =	sshll.u32 s4, $0x15;
	s6 =	sshrl.u32 s5, $0x1  }
0x8: {  	s10 =	sshll.u32 s10, $0x16;
	s11 =	sshll.u32 s25, $0x7;
	s12 =	sshll.u32 s25, $0x4  }
0x9: {  	s6 =	ssub.s32 s5, s6;
	s5 =	sand.u32 $0x8, s26;
	s4 =	sor.u32 s4, s10  }
0xa: {  	s28 =	sadd.s32 s12, s7;
	s30 =	sadd.s32 s12, s8;
	s29 =	sor.u32 s11, s4  }
0xb: {  	s3 =	sor.u32 s9, s5;
	s4 =	sadd.s32 $0x3CC780, s28;
	s31 =	sadd.s32 $0x16E3C00, s29  }
0xc: {  	s5 =	sadd.s32 $0xF0000, s30;
	s9 =	sshrl.u32 s29, $0x3;
	s10 =	sshrl.u32 s31, $0x3  }
0xd: {  	s6 =	smax.u32 s6, $0x1;
	s8 =	sadd.s32 s9, s8;
	s7 =	sadd.s32 s10, s7  }
.LBB2_1:
0xe: {  	s9 =	sadd.s32 $0x0, s3  }
0xf: {  	p1 =	sgt.u32 s9, $0xE  }
0x10: {  	s10 =	simm.s32 @!p1 $0x80  }
0x11: {  	s11 =	simm.s32 @!p1 $0x400;
	s12 =	simm.s32 @!p1 $0x0;
	s13 =	simm.s32 @!p1 $0x2  }
0x12: {  	[tilespmem:s12], [sflag:$0x2] =	stream.strided.gather @!p1 [hbm4b:s7+s10], $0x10000, s11, s10, $0x38;
	[tilespmem:$0x10000] =	vst v63  }
0x13: {  	_ =	swait.ge @!p1 [sflag:s13], $0x10000  }
0x14: {  	[sflag:s13] =	ssyncset.done @!p1 $0x0  }
0x15: {  	s9 =	sadd.s32 $0xFFFFFFF1, s9;
	[sflag:s13] =	ssyncadd.s32 @!p1 $0xFFFF0000  }
0x16: {  	[hbm4b:s8+s10] =	stream.strided.scatter @!p1 [tilespmem:s12], [sflag:$0x2], $0x10000, s11, s10, $0x38;
	[tilespmem:$0x10000] =	vst v63  }
0x17: {  	p0 =	sne.s32 s9, $0x0;
	_ =	swait.ge @!p1 [sflag:s13], $0x10000  }
0x18: {  	s9 =	simm.s32 @!p0 $0x80;
	s14 =	simm.s32 @!p0 $0x2;
	[sflag:s13] =	ssyncset.done @!p1 $0x0  }
0x19: {  	s12 =	simm.s32 @!p0 $0x0;
	[sflag:s13] =	ssyncadd.s32 @!p1 $0xFFFF0000;
	s13 =	simm.s32 @!p0 $0x400  }
0x1a: {  	[tilespmem:s12], [sflag:$0x2] =	stream.strided.gather @!p0 [hbm4b:s4+s9], $0x4200, s13, s9, $0x38;
	[tilespmem:$0x10000] =	vst v63  }
0x1b: {  	_ =	swait.ge @!p0 [sflag:s14], $0x4200  }
0x1c: {  	[sflag:s14] =	ssyncset.done @!p0 $0x0  }
0x1d: {  	s31 =	sadd.s32 $0x1, s3;
	s11 =	simm.s32 $0x2;
	[sflag:s14] =	ssyncadd.s32 @!p0 $0xFFFFBE00  }
0x1e: {  	[hbm4b:s5+s9] =	stream.strided.scatter @!p0 [tilespmem:s12], [sflag:$0x1], $0x4200, s13, s9, $0x38;
	[tilespmem:$0x10000] =	vst v63  }
0x1f: {  	s10 =	sadd.s32 $0x10000, s7;
	p1 =	sgt.u32 s31, $0xE;
	s13 =	simm.s32 @!p0 $0x1  }
0x20: {  	s9 =	sadd.s32 $0x10000, s8;
	s12 =	sadd.s32 $0xFFFFFFF1, s31;
	_ =	swait.ge @!p0 [sflag:s13], $0x4200  }
.LBB2_2:
0x21: {  	s14 =	simm.s32 @!p1 $0x80;
	s15 =	simm.s32 @!p1 $0x400;
	[sflag:s13] =	ssyncset.done @!p0 $0x0  }
0x22: {  	s16 =	simm.s32 @!p1 $0x0;
	s17 =	simm.s32 @!p1 $0x2;
	[sflag:s13] =	ssyncadd.s32 @!p0 $0xFFFFBE00  }
0x23: {  	[tilespmem:s16], [sflag:$0x2] =	stream.strided.gather @!p1 [hbm4b:s10+s14], $0x10000, s15, s14, $0x38;
	[tilespmem:$0x10000] =	vst v63  }
0x24: {  	s13 =	smov.u32 s11;
	s11 =	sadd.s32 $0x1, s11;
	_ =	swait.ge @!p1 [sflag:s17], $0x10000  }
0x25: {  	p2 =	sne.s32 s11, $0x4;
	[sflag:s17] =	ssyncset.done @!p1 $0x0  }
0x26: {  	[sflag:s17] =	ssyncadd.s32 @!p1 $0xFFFF0000  }
0x27: {  	[hbm4b:s9+s14] =	stream.strided.scatter @!p1 [tilespmem:s16], [sflag:$0x2], $0x10000, s15, s14, $0x38;
	[tilespmem:$0x10000] =	vst v63  }
0x28: {  	p0 =	sne.s32 s12, $0x0;
	_ =	swait.ge @!p1 [sflag:s17], $0x10000  }
0x29: {  	s12 =	simm.s32 @!p0 $0x80;
	s14 =	simm.s32 @!p0 $0x0;
	[sflag:s17] =	ssyncset.done @!p1 $0x0  }
0x2a: {  	s15 =	simm.s32 @!p0 $0x400;
	s16 =	simm.s32 @!p0 $0x2;
	[sflag:s17] =	ssyncadd.s32 @!p1 $0xFFFF0000  }
0x2b: {  	[tilespmem:s14], [sflag:$0x2] =	stream.strided.gather @!p0 [hbm4b:s4+s12], $0x4200, s15, s12, $0x38;
	[tilespmem:$0x10000] =	vst v63  }
.Ltmp0:
0x2c: {  	_ =	swait.ge @!p0 [sflag:s16], $0x4200;
	(pc) =	sbr.rel @p2 .LBB2_2-.Ltmp0, $4  }
0x2d: {  	s10 =	sadd.s32 $0x10000, s10;
	s9 =	sadd.s32 $0x10000, s9;
	[sflag:s16] =	ssyncset.done @!p0 $0x0  }
0x2e: {  	s17 =	sadd.s32 s13, s3;
	s13 =	simm.s32 @!p0 $0x1;
	[sflag:s16] =	ssyncadd.s32 @!p0 $0xFFFFBE00  }
0x2f: {  	[hbm4b:s5+s12] =	stream.strided.scatter @!p0 [tilespmem:s14], [sflag:$0x1], $0x4200, s15, s12, $0x38;
	[tilespmem:$0x10000] =	vst v63  }
0x30: {  	p1 =	sgt.u32 s17, $0xE;
	s12 =	sadd.s32 $0xFFFFFFF1, s17;
	_ =	swait.ge @!p0 [sflag:s13], $0x4200  }
0x31: {  	s11 =	simm.s32 @!p1 $0x80;
	s14 =	simm.s32 @!p1 $0x400;
	[sflag:s13] =	ssyncset.done @!p0 $0x0  }
0x32: {  	s15 =	simm.s32 @!p1 $0x0;
	s16 =	simm.s32 @!p1 $0x2;
	[sflag:s13] =	ssyncadd.s32 @!p0 $0xFFFFBE00  }
0x33: {  	[tilespmem:s15], [sflag:$0x2] =	stream.strided.gather @!p1 [hbm4b:s10+s11], $0x10000, s14, s11, $0x38;
	[tilespmem:$0x10000] =	vst v63  }
0x34: {  	_ =	swait.ge @!p1 [sflag:s16], $0x10000  }
0x35: {  	[sflag:s16] =	ssyncset.done @!p1 $0x0  }
0x36: {  	[sflag:s16] =	ssyncadd.s32 @!p1 $0xFFFF0000  }
0x37: {  	[hbm4b:s9+s11] =	stream.strided.scatter @!p1 [tilespmem:s15], [sflag:$0x2], $0x10000, s14, s11, $0x38;
	[tilespmem:$0x10000] =	vst v63  }
0x38: {  	p0 =	sne.s32 s12, $0x0;
	_ =	swait.ge @!p1 [sflag:s16], $0x10000  }
0x39: {  	s10 =	simm.s32 @!p0 $0x0;
	s12 =	simm.s32 @!p0 $0x2;
	[sflag:s16] =	ssyncset.done @!p1 $0x0  }
0x3a: {  	s9 =	simm.s32 @!p0 $0x80;
	s11 =	simm.s32 @!p0 $0x400;
	[sflag:s16] =	ssyncadd.s32 @!p1 $0xFFFF0000  }
0x3b: {  	[tilespmem:s10], [sflag:$0x2] =	stream.strided.gather @!p0 [hbm4b:s4+s9], $0x4200, s11, s9, $0x38;
	[tilespmem:$0x10000] =	vst v63  }
0x3c: {  	s1 =	sadd.s32 $0x1, s1;
	_ =	swait.ge @!p0 [sflag:s12], $0x4200  }
0x3d: {  	p1 =	sne.s32 s1, s6;
	[sflag:s12] =	ssyncset.done @!p0 $0x0  }
.Ltmp1:
0x3e: {  	[sflag:s12] =	ssyncadd.s32 @!p0 $0xFFFFBE00;
	s12 =	simm.s32 @!p0 $0x1;
	(pc) =	sbr.rel @p1 .LBB2_1-.Ltmp1, $4  }
0x3f: {  	[hbm4b:s5+s9] =	stream.strided.scatter @!p0 [tilespmem:s10], [sflag:$0x1], $0x4200, s11, s9, $0x38;
	[tilespmem:$0x10000] =	vst v63  }
0x40: {  	_ =	swait.ge @!p0 [sflag:s12], $0x4200  }
0x41: {  	[sflag:s12] =	ssyncset.done @!p0 $0x0  }
0x42: {  	[sflag:s12] =	ssyncadd.s32 @!p0 $0xFFFFBE00  }
0x43: {  	_ =	sfence.sel $0x180000  }
0x44: {  	[bflag:$0x0] =	sbarrier.arrive $0xFFFF  }
0x45: {  	p0 =	sne.s32 s2, $0x0;
	_ =	strace $0x90000047  }
0x46: {  	s0 =	sadd.s32 @!p0 $0x100000, s0;
	[bflag:$0x2] =	sbarrier.arrive $0xFFFF  }
0x47: {  	[sflag:s0] =	ssyncadd.tile.s32 @!p0 $0x1;
	_ =	shalt  }
.Lfunc_end2:
_tile_overlayer_lowered:
.L_overlay_start_2:
0x48: {  	(tag) =	ssettag $0x2  }
0x49: {  	s0 =	rddreg [dreg:$0x0];
	s2 =	stileid.u32  }
0x4a: {  	s1 =	rddreg [dreg:$0x1];
	p0 =	sne.s32 s2, $0x0  }
0x4b: {  	s3 =	rddreg [dreg:$0x2];
	[bflag:$0x3] =	sbarrier.arrive $0xFFFF;
	s2 =	simm.s32 @!p0 $0x1C01  }
0x4c: {  	[timem:s3], [sflag:s2] =	dma.local @!p0 [hbm:s0], s1  }
0x4d: {  	s0 =	simm.s32 @!p0 $0x1  }
0x4e: {  	_ =	swait.ge @!p0 [sflag:s0], s1  }
0x4f: {  	s1 =	ssub.s32 @!p0 $0x0, s1;
	[sflag:s0] =	ssyncset.done @!p0 $0x0  }
0x50: {  	[sflag:s0] =	ssyncadd.s32 @!p0 s1  }
0x51: {  	[bflag:$0x3] =	sbarrier.arrive $0xFFFF  }
0x52: {  	_ =	shalt  }

</sc_bundles>
